<compile_context>
chip_gen: v7x
topology: tpu7x:2x2x1
jax: 0.10.2.dev20260603
libtpu: 0.0.44.dev20260713+nightly
codegen_flags: <defaults>
</compile_context>

<pallas_src>
import jax
import jax.numpy as jnp
from jax import lax
from jax.experimental import pallas as pl
from jax.experimental.pallas import tpu as pltpu
from jax.experimental.pallas import tpu_sc as plsc

HEADS = 16
BUCKETS = 64
DIM = 64
SEQ = 8192
RPB = SEQ // BUCKETS
NL = 16
PW = DIM * NL

TC_BH = 24
SC_BH = 8
WPB = 32 // SC_BH
BPW = BUCKETS // WPB
GROUPS = 2
BPG = BPW // GROUPS


def _sc_body(q_hbm, k_hbm, sq_hbm, sk_hbm, buf0, buf1, res, sem0, sem1):
    wid = lax.axis_index("s") * 2 + lax.axis_index("c")
    bh_l = wid // WPB
    bbase = (wid % WPB) * BPW

    def accumulate_bucket(buf, local_b):
        def dimsum(d):
            v = [buf[d, j * NL:(j + 1) * NL] for j in range(RPB // NL)]
            return ((v[0] + v[1]) + (v[2] + v[3])) + ((v[4] + v[5]) + (v[6] + v[7]))

        def pair_step(d2, carry):
            d = 2 * d2
            res[local_b, pl.ds(d * NL, NL)] = dimsum(d)
            res[local_b, pl.ds((d + 1) * NL, NL)] = dimsum(d + 1)
            return carry

        lax.fori_loop(0, DIM // 2, pair_step, 0)

    def one_tensor(src_hbm, dst_hbm):
        def chunk_slice(c):
            return src_hbm.at[
                TC_BH + bh_l, :, pl.ds((bbase + c) * RPB, RPB)
            ]

        pltpu.async_copy(chunk_slice(0), buf0, sem0)
        pltpu.async_copy(chunk_slice(1), buf1, sem1)

        for grp in range(GROUPS):
            def iter_j(j, carry):
                for half, (buf, sem) in enumerate(((buf0, sem0), (buf1, sem1))):
                    c = grp * BPG + 2 * j + half
                    pltpu.make_async_copy(chunk_slice(0), buf, sem).wait()
                    accumulate_bucket(buf, 2 * j + half)
                    nc = jnp.minimum(c + 2, BPW - 1)
                    pltpu.async_copy(chunk_slice(nc), buf, sem)
                return carry

            lax.fori_loop(0, BPG // 2, iter_j, 0)
            pltpu.sync_copy(res, dst_hbm.at[bh_l, pl.ds(bbase + grp * BPG, BPG)])

        pltpu.make_async_copy(chunk_slice(0), buf0, sem0).wait()
        pltpu.make_async_copy(chunk_slice(0), buf1, sem1).wait()

    one_tensor(q_hbm, sq_hbm)
    one_tensor(k_hbm, sk_hbm)


def _tc_main_body(q_ref, k_ref, w_ref, pq_ref, pk_ref, out_ref):
    w = w_ref[...]
    a = jax.lax.dot_general(
        q_ref[0], w, (((1,), (0,)), ((), ())), preferred_element_type=jnp.float32
    ) + pq_ref[0]
    b = jax.lax.dot_general(
        k_ref[0], w, (((1,), (0,)), ((), ())), preferred_element_type=jnp.float32
    ) + pk_ref[0]
    r = jax.lax.dot_general(
        a, b, (((0,), (0,)), ((), ())), preferred_element_type=jnp.float32
    )
    r = r - jnp.max(r, axis=-1, keepdims=True)
    e = jnp.exp(r)
    out_ref[0] = e / jnp.sum(e, axis=-1, keepdims=True)


def _tc_fold_body(pq4_ref, pk4_ref, f_ref, pq_ref, pk_ref, out_ref):
    f = f_ref[...]
    a = jax.lax.dot_general(
        pq4_ref[...].reshape(SC_BH * BUCKETS, PW), f, (((1,), (0,)), ((), ())),
        preferred_element_type=jnp.float32,
    ).reshape(SC_BH, BUCKETS, DIM) + pq_ref[...]
    b = jax.lax.dot_general(
        pk4_ref[...].reshape(SC_BH * BUCKETS, PW), f, (((1,), (0,)), ((), ())),
        preferred_element_type=jnp.float32,
    ).reshape(SC_BH, BUCKETS, DIM) + pk_ref[...]
    r = jax.lax.dot_general(
        a, b, (((2,), (2,)), ((0,), (0,))), preferred_element_type=jnp.float32
    )
    r = r - jnp.max(r, axis=-1, keepdims=True)
    e = jnp.exp(r)
    out_ref[...] = e / jnp.sum(e, axis=-1, keepdims=True)


def kernel(q, k, q_pos_emb, k_pos_emb):
    bh = q.shape[0]
    qt = jnp.swapaxes(q, 1, 2)
    kt = jnp.swapaxes(k, 1, 2)
    pqt = jnp.swapaxes(q_pos_emb[0], 1, 2)
    pkt = jnp.swapaxes(k_pos_emb[0], 1, 2)

    mesh = plsc.VectorSubcoreMesh(core_axis_name="c", subcore_axis_name="s")
    sc = pl.kernel(
        _sc_body,
        mesh=mesh,
        out_type=(
            pltpu.HBM((SC_BH, BUCKETS, PW), jnp.float32),
            pltpu.HBM((SC_BH, BUCKETS, PW), jnp.float32),
        ),
        scratch_types=[
            pltpu.VMEM((DIM, RPB), jnp.float32),
            pltpu.VMEM((DIM, RPB), jnp.float32),
            pltpu.VMEM((BPG, PW), jnp.float32),
            pltpu.SemaphoreType.DMA,
            pltpu.SemaphoreType.DMA,
        ],
    )
    pq4, pk4 = sc(qt, kt)

    w = jnp.repeat(jnp.eye(BUCKETS, dtype=jnp.float32) / RPB, RPB, axis=0)
    out_tc = pl.pallas_call(
        _tc_main_body,
        grid=(TC_BH,),
        in_specs=[
            pl.BlockSpec((1, DIM, SEQ), lambda i: (i, 0, 0)),
            pl.BlockSpec((1, DIM, SEQ), lambda i: (i, 0, 0)),
            pl.BlockSpec((SEQ, BUCKETS), lambda i: (0, 0)),
            pl.BlockSpec((1, DIM, BUCKETS), lambda i: (i % HEADS, 0, 0)),
            pl.BlockSpec((1, DIM, BUCKETS), lambda i: (i % HEADS, 0, 0)),
        ],
        out_specs=pl.BlockSpec((1, BUCKETS, BUCKETS), lambda i: (i, 0, 0)),
        out_shape=jax.ShapeDtypeStruct((TC_BH, BUCKETS, BUCKETS), jnp.float32),
    )(qt, kt, w, pqt, pkt)

    fidx = jnp.arange(PW) // NL
    fold = (fidx[:, None] == jnp.arange(DIM)[None, :]).astype(jnp.float32) / RPB
    pos_q_sc = jnp.take(
        q_pos_emb[0], (TC_BH + jnp.arange(SC_BH)) % HEADS, axis=0
    )
    pos_k_sc = jnp.take(
        k_pos_emb[0], (TC_BH + jnp.arange(SC_BH)) % HEADS, axis=0
    )
    out_sc = pl.pallas_call(
        _tc_fold_body,
        grid=(1,),
        in_specs=[
            pl.BlockSpec((SC_BH, BUCKETS, PW), lambda i: (0, 0, 0)),
            pl.BlockSpec((SC_BH, BUCKETS, PW), lambda i: (0, 0, 0)),
            pl.BlockSpec((PW, DIM), lambda i: (0, 0)),
            pl.BlockSpec((SC_BH, BUCKETS, DIM), lambda i: (0, 0, 0)),
            pl.BlockSpec((SC_BH, BUCKETS, DIM), lambda i: (0, 0, 0)),
        ],
        out_specs=pl.BlockSpec((SC_BH, BUCKETS, BUCKETS), lambda i: (0, 0, 0)),
        out_shape=jax.ShapeDtypeStruct((SC_BH, BUCKETS, BUCKETS), jnp.float32),
    )(pq4, pk4, fold, pos_q_sc, pos_k_sc)

    return jnp.concatenate((out_tc, out_sc), axis=0)

# --- scband reference (transcript-rebuilt; emitter-appended) ---
"""Pipeline reference for scband-attention-sort-net-1580547971899 (READ-ONLY COPY).

The authoritative reference and input builder live on the scoring server;
editing this copy changes nothing except your own understanding.
"""

import jax, jax.numpy as jnp
import numpy as np

HEADS = 16
BUCKETS = 64
DIM = 64
B = 2
SEQ = 8192


def setup_inputs(seed: int = 0) -> dict:
    key = jax.random.key(seed)
    k1, k2, k3, k4 = jax.random.split(key, 4)
    q = jax.random.normal(k1, (B * HEADS, SEQ, DIM), dtype=jnp.float32)
    k = jax.random.normal(k2, (B * HEADS, SEQ, DIM), dtype=jnp.float32)
    q_pos_emb = jax.random.normal(k3, (1, HEADS, BUCKETS, DIM), dtype=jnp.float32)
    k_pos_emb = jax.random.normal(k4, (1, HEADS, BUCKETS, DIM), dtype=jnp.float32)
    return {"q": q, "k": k, "q_pos_emb": q_pos_emb, "k_pos_emb": k_pos_emb}


def _expand_batch_and_merge_head(b, t):
    # t: [1, heads, buckets, dim] -> [b*heads, buckets, dim]
    t = jnp.broadcast_to(t, (b,) + t.shape[1:])
    return t.reshape(b * t.shape[1], t.shape[2], t.shape[3])


def reference(q, k, q_pos_emb, k_pos_emb):
    bh = q.shape[0]
    b = bh // HEADS
    # bucket(buckets, t): reshape seq dim into [buckets, -1]
    b_q = q.reshape(bh, BUCKETS, -1, q.shape[-1])
    b_k = k.reshape(bh, BUCKETS, -1, k.shape[-1])
    pos_q = _expand_batch_and_merge_head(b, q_pos_emb)
    pos_k = _expand_batch_and_merge_head(b, k_pos_emb)
    sq = b_q.mean(axis=2) + pos_q
    sk = b_k.mean(axis=2) + pos_k
    R = jnp.einsum('bie,bje->bij', sq, sk)
    # non_permutative=True and n_sortcut=0 -> plain softmax over last dim
    return jax.nn.softmax(R, axis=-1)

if __name__ == "__main__":
    import jax
    _d = setup_inputs()
    print(jax.jit(kernel)(*tuple(_d.values())))

</pallas_src>

<mosaic_0001>
#map = affine_map<(d0, d1) -> (0, 0, 0)>
module attributes {stable_mosaic.version = 14 : i64} {
  func.func @_sc_body(%arg0: i32, %arg1: i32, %arg2: memref<32x64x8192xf32, #tpu.memory_space<hbm>>, %arg3: memref<32x64x8192xf32, #tpu.memory_space<hbm>>, %arg4: memref<8x64x1024xf32, #tpu.memory_space<hbm>>, %arg5: memref<8x64x1024xf32, #tpu.memory_space<hbm>>, %arg6: memref<64x128xf32, #tpu.memory_space<vmem>>, %arg7: memref<64x128xf32, #tpu.memory_space<vmem>>, %arg8: memref<8x1024xf32, #tpu.memory_space<vmem>>, %arg9: memref<!tpu.dma_semaphore, #tpu.memory_space<semaphore_mem>>, %arg10: memref<!tpu.dma_semaphore, #tpu.memory_space<semaphore_mem>>) attributes {dimension_semantics = [#tpu.dimension_semantics<core_parallel>, #tpu.dimension_semantics<subcore_parallel>], iteration_bounds = array<i64: 2, 16>, scalar_prefetch = 0 : i64, scratch_operands = 5 : i64, tpu.core_type = #tpu.core_type<sc_vector_subcore>, window_params = [{transform_indices = #map}, {transform_indices = #map}, {transform_indices = #map}, {transform_indices = #map}]} {
    %mul3A = arith.constant 2 : i32
    %mul3A_0 = arith.muli %arg1, %mul3A : i32
    %add3A = arith.addi %mul3A_0, %arg0 : i32
    %jit3A = arith.constant 4 : i32
    %div3A = arith.divsi %add3A, %jit3A : i32
    %sign3A = arith.constant 0 : i32
    %sign3A_1 = arith.cmpi sgt, %add3A, %sign3A : i32
    %sign3A_2 = arith.extui %sign3A_1 : i1 to i32
    %sign3A_3 = arith.constant 0 : i32
    %sign3A_4 = arith.cmpi slt, %add3A, %sign3A_3 : i32
    %sign3A_5 = arith.extui %sign3A_4 : i1 to i32
    %sign3A_6 = arith.subi %sign3A_2, %sign3A_5 : i32
    %sign3A_7 = arith.constant 0 : i32
    %sign3A_8 = arith.cmpi sgt, %jit3A, %sign3A_7 : i32
    %sign3A_9 = arith.extui %sign3A_8 : i1 to i32
    %sign3A_10 = arith.constant 0 : i32
    %sign3A_11 = arith.cmpi slt, %jit3A, %sign3A_10 : i32
    %sign3A_12 = arith.extui %sign3A_11 : i1 to i32
    %sign3A_13 = arith.subi %sign3A_9, %sign3A_12 : i32
    %ne3A = arith.cmpi ne, %sign3A_6, %sign3A_13 : i32
    %rem3A = arith.remsi %add3A, %jit3A : i32
    %ne3A_14 = arith.constant 0 : i32
    %ne3A_15 = arith.cmpi ne, %rem3A, %ne3A_14 : i32
    %and3A = arith.andi %ne3A, %ne3A_15 : i1
    %sub3A = arith.constant 1 : i32
    %sub3A_16 = arith.subi %div3A, %sub3A : i32
    %select_n3A = arith.select %and3A, %sub3A_16, %div3A : i32
    %jit3A_17 = arith.constant 4 : i32
    %eq3A = arith.constant 0 : i32
    %eq3A_18 = arith.cmpi eq, %jit3A_17, %eq3A : i32
    %jit3A_19 = arith.constant 1 : i32
    %select_n3A_20 = arith.select %eq3A_18, %jit3A_19, %jit3A_17 : i32
    %rem3A_21 = arith.remsi %add3A, %select_n3A_20 : i32
    %ne3A_22 = arith.constant 0 : i32
    %ne3A_23 = arith.cmpi ne, %rem3A_21, %ne3A_22 : i32
    %lt3A = arith.constant 0 : i32
    %lt3A_24 = arith.cmpi slt, %rem3A_21, %lt3A : i32
    %lt3A_25 = arith.constant 0 : i32
    %lt3A_26 = arith.cmpi slt, %select_n3A_20, %lt3A_25 : i32
    %ne3A_27 = arith.xori %lt3A_24, %lt3A_26 : i1
    %and3A_28 = arith.andi %ne3A_27, %ne3A_23 : i1
    %add3A_29 = arith.addi %rem3A_21, %select_n3A_20 : i32
    %select_n3A_30 = arith.select %and3A_28, %add3A_29, %rem3A_21 : i32
    %mul3A_31 = arith.constant 16 : i32
    %mul3A_32 = arith.muli %select_n3A_30, %mul3A_31 : i32
    %add3A_33 = arith.constant 24 : i32
    %add3A_34 = arith.addi %add3A_33, %select_n3A : i32
    %add3A_35 = arith.constant 0 : i32
    %add3A_36 = arith.addi %mul3A_32, %add3A_35 : i32
    %mul3A_37 = arith.constant 128 : i32
    %mul3A_38 = arith.muli %add3A_36, %mul3A_37 : i32
    %dma_start3A = arith.constant 0 : i32
    %dma_start3A_39 = tpu.memref_slice %arg2[%add3A_34, %dma_start3A, %mul3A_38] : memref<32x64x8192xf32, #tpu.memory_space<hbm>> -> memref<1x64x128xf32, #tpu.memory_space<hbm>>
    %dma_start3A_40 = tpu.memref_squeeze %dma_start3A_39 : memref<1x64x128xf32, #tpu.memory_space<hbm>> -> memref<64x128xf32, #tpu.memory_space<hbm>>
    %dma_start3A_41 = arith.constant 0 : i32
    %dma_start3A_42 = tpu.memref_slice %arg2[%add3A_34, %dma_start3A_41, %mul3A_38] : memref<32x64x8192xf32, #tpu.memory_space<hbm>> -> memref<1x64x128xf32, #tpu.memory_space<hbm>>
    %dma_start3A_43 = tpu.memref_squeeze %dma_start3A_42 : memref<1x64x128xf32, #tpu.memory_space<hbm>> -> memref<64x128xf32, #tpu.memory_space<hbm>>
    tpu.enqueue_dma source(%dma_start3A_43 : memref<64x128xf32, #tpu.memory_space<hbm>>) target(%arg6 : memref<64x128xf32, #tpu.memory_space<vmem>>) target_semaphore(%arg9 : memref<!tpu.dma_semaphore, #tpu.memory_space<semaphore_mem>>)
    %add3A_44 = arith.constant 24 : i32
    %add3A_45 = arith.addi %add3A_44, %select_n3A : i32
    %add3A_46 = arith.constant 1 : i32
    %add3A_47 = arith.addi %mul3A_32, %add3A_46 : i32
    %mul3A_48 = arith.constant 128 : i32
    %mul3A_49 = arith.muli %add3A_47, %mul3A_48 : i32
    %dma_start3A_50 = arith.constant 0 : i32
    %dma_start3A_51 = tpu.memref_slice %arg2[%add3A_45, %dma_start3A_50, %mul3A_49] : memref<32x64x8192xf32, #tpu.memory_space<hbm>> -> memref<1x64x128xf32, #tpu.memory_space<hbm>>
    %dma_start3A_52 = tpu.memref_squeeze %dma_start3A_51 : memref<1x64x128xf32, #tpu.memory_space<hbm>> -> memref<64x128xf32, #tpu.memory_space<hbm>>
    %dma_start3A_53 = arith.constant 0 : i32
    %dma_start3A_54 = tpu.memref_slice %arg2[%add3A_45, %dma_start3A_53, %mul3A_49] : memref<32x64x8192xf32, #tpu.memory_space<hbm>> -> memref<1x64x128xf32, #tpu.memory_space<hbm>>
    %dma_start3A_55 = tpu.memref_squeeze %dma_start3A_54 : memref<1x64x128xf32, #tpu.memory_space<hbm>> -> memref<64x128xf32, #tpu.memory_space<hbm>>
    tpu.enqueue_dma source(%dma_start3A_55 : memref<64x128xf32, #tpu.memory_space<hbm>>) target(%arg7 : memref<64x128xf32, #tpu.memory_space<vmem>>) target_semaphore(%arg10 : memref<!tpu.dma_semaphore, #tpu.memory_space<semaphore_mem>>)
    %scan3A = arith.constant 0 : i32
    %scan3A_56 = arith.constant 0 : i32
    %scan3A_57 = arith.constant 4 : i32
    %scan3A_58 = arith.addi %scan3A_56, %scan3A_57 : i32
    %scan3A_59 = arith.constant 1 : i32
    scf.for %scan3A_158 = %scan3A_56 to %scan3A_58 step %scan3A_59  : i32 {
      %mul3A_159 = arith.constant 2 : i32
      %mul3A_160 = arith.muli %mul3A_159, %scan3A_158 : i32
      %add3A_161 = arith.constant 0 : i32
      %add3A_162 = arith.addi %add3A_161, %mul3A_160 : i32
      %add3A_163 = arith.constant 0 : i32
      %add3A_164 = arith.addi %add3A_162, %add3A_163 : i32
      %add3A_165 = arith.constant 24 : i32
      %add3A_166 = arith.addi %add3A_165, %select_n3A : i32
      %add3A_167 = arith.constant 0 : i32
      %add3A_168 = arith.addi %mul3A_32, %add3A_167 : i32
      %mul3A_169 = arith.constant 128 : i32
      %mul3A_170 = arith.muli %add3A_168, %mul3A_169 : i32
      %dma_wait3A_171 = arith.constant 0 : i32
      %dma_wait3A_172 = tpu.memref_slice %arg2[%add3A_166, %dma_wait3A_171, %mul3A_170] : memref<32x64x8192xf32, #tpu.memory_space<hbm>> -> memref<1x64x128xf32, #tpu.memory_space<hbm>>
      %dma_wait3A_173 = tpu.memref_squeeze %dma_wait3A_172 : memref<1x64x128xf32, #tpu.memory_space<hbm>> -> memref<64x128xf32, #tpu.memory_space<hbm>>
      %dma_wait3A_174 = arith.constant 0 : i32
      %dma_wait3A_175 = tpu.memref_slice %arg2[%add3A_166, %dma_wait3A_174, %mul3A_170] : memref<32x64x8192xf32, #tpu.memory_space<hbm>> -> memref<1x64x128xf32, #tpu.memory_space<hbm>>
      %dma_wait3A_176 = tpu.memref_squeeze %dma_wait3A_175 : memref<1x64x128xf32, #tpu.memory_space<hbm>> -> memref<64x128xf32, #tpu.memory_space<hbm>>
      tpu.wait_dma2 semaphore(%arg9 : memref<!tpu.dma_semaphore, #tpu.memory_space<semaphore_mem>>) src(%dma_wait3A_176 : memref<64x128xf32, #tpu.memory_space<hbm>>) dst(%arg6 : memref<64x128xf32, #tpu.memory_space<vmem>>)
      %mul3A_177 = arith.constant 2 : i32
      %mul3A_178 = arith.muli %mul3A_177, %scan3A_158 : i32
      %add3A_179 = arith.constant 0 : i32
      %add3A_180 = arith.addi %mul3A_178, %add3A_179 : i32
      %scan3A_181 = arith.constant 0 : i32
      %scan3A_182 = arith.constant 0 : i32
      %scan3A_183 = arith.constant 32 : i32
      %scan3A_184 = arith.addi %scan3A_182, %scan3A_183 : i32
      %scan3A_185 = arith.constant 1 : i32
      scf.for %scan3A_244 = %scan3A_182 to %scan3A_184 step %scan3A_185  : i32 {
        %mul3A_245 = arith.constant 2 : i32
        %mul3A_246 = arith.muli %mul3A_245, %scan3A_244 : i32
        %get3A = arith.index_cast %mul3A_246 : i32 to index
        %get3A_247 = arith.constant 0 : index
        %get3A_248 = tpu.vector_load %arg6[%get3A, %get3A_247] {strides = array<i32>} : memref<64x128xf32, #tpu.memory_space<vmem>>, vector<1x16xf32>,
        %get3A_249 = vector.shape_cast %get3A_248 : vector<1x16xf32> to vector<16xf32>
        %get3A_250 = arith.index_cast %mul3A_246 : i32 to index
        %get3A_251 = arith.constant 16 : index
        %get3A_252 = tpu.vector_load %arg6[%get3A_250, %get3A_251] {strides = array<i32>} : memref<64x128xf32, #tpu.memory_space<vmem>>, vector<1x16xf32>,
        %get3A_253 = vector.shape_cast %get3A_252 : vector<1x16xf32> to vector<16xf32>
        %get3A_254 = arith.index_cast %mul3A_246 : i32 to index
        %get3A_255 = arith.constant 32 : index
        %get3A_256 = tpu.vector_load %arg6[%get3A_254, %get3A_255] {strides = array<i32>} : memref<64x128xf32, #tpu.memory_space<vmem>>, vector<1x16xf32>,
        %get3A_257 = vector.shape_cast %get3A_256 : vector<1x16xf32> to vector<16xf32>
        %get3A_258 = arith.index_cast %mul3A_246 : i32 to index
        %get3A_259 = arith.constant 48 : index
        %get3A_260 = tpu.vector_load %arg6[%get3A_258, %get3A_259] {strides = array<i32>} : memref<64x128xf32, #tpu.memory_space<vmem>>, vector<1x16xf32>,
        %get3A_261 = vector.shape_cast %get3A_260 : vector<1x16xf32> to vector<16xf32>
        %get3A_262 = arith.index_cast %mul3A_246 : i32 to index
        %get3A_263 = arith.constant 64 : index
        %get3A_264 = tpu.vector_load %arg6[%get3A_262, %get3A_263] {strides = array<i32>} : memref<64x128xf32, #tpu.memory_space<vmem>>, vector<1x16xf32>,
        %get3A_265 = vector.shape_cast %get3A_264 : vector<1x16xf32> to vector<16xf32>
        %get3A_266 = arith.index_cast %mul3A_246 : i32 to index
        %get3A_267 = arith.constant 80 : index
        %get3A_268 = tpu.vector_load %arg6[%get3A_266, %get3A_267] {strides = array<i32>} : memref<64x128xf32, #tpu.memory_space<vmem>>, vector<1x16xf32>,
        %get3A_269 = vector.shape_cast %get3A_268 : vector<1x16xf32> to vector<16xf32>
        %get3A_270 = arith.index_cast %mul3A_246 : i32 to index
        %get3A_271 = arith.constant 96 : index
        %get3A_272 = tpu.vector_load %arg6[%get3A_270, %get3A_271] {strides = array<i32>} : memref<64x128xf32, #tpu.memory_space<vmem>>, vector<1x16xf32>,
        %get3A_273 = vector.shape_cast %get3A_272 : vector<1x16xf32> to vector<16xf32>
        %get3A_274 = arith.index_cast %mul3A_246 : i32 to index
        %get3A_275 = arith.constant 112 : index
        %get3A_276 = tpu.vector_load %arg6[%get3A_274, %get3A_275] {strides = array<i32>} : memref<64x128xf32, #tpu.memory_space<vmem>>, vector<1x16xf32>,
        %get3A_277 = vector.shape_cast %get3A_276 : vector<1x16xf32> to vector<16xf32>
        %add3A_278 = arith.addf %get3A_249, %get3A_253 : vector<16xf32>
        %add3A_279 = arith.addf %get3A_257, %get3A_261 : vector<16xf32>
        %add3A_280 = arith.addf %add3A_278, %add3A_279 : vector<16xf32>
        %add3A_281 = arith.addf %get3A_265, %get3A_269 : vector<16xf32>
        %add3A_282 = arith.addf %get3A_273, %get3A_277 : vector<16xf32>
        %add3A_283 = arith.addf %add3A_281, %add3A_282 : vector<16xf32>
        %add3A_284 = arith.addf %add3A_280, %add3A_283 : vector<16xf32>
        %mul3A_285 = arith.constant 16 : i32
        %mul3A_286 = arith.muli %mul3A_246, %mul3A_285 : i32
        %swap3A = arith.index_cast %add3A_180 : i32 to index
        %swap3A_287 = arith.index_cast %mul3A_286 : i32 to index
        %swap3A_288 = tpu.vector_load %arg8[%swap3A, %swap3A_287] {strides = array<i32>} : memref<8x1024xf32, #tpu.memory_space<vmem>>, vector<1x16xf32>,
        %swap3A_289 = vector.shape_cast %swap3A_288 : vector<1x16xf32> to vector<16xf32>
        %swap3A_290 = vector.shape_cast %add3A_284 : vector<16xf32> to vector<1x16xf32>
        tpu.vector_store %arg8[%swap3A, %swap3A_287], %swap3A_290 {strides = array<i32>} : memref<8x1024xf32, #tpu.memory_space<vmem>>, vector<1x16xf32>,
        %add3A_291 = arith.constant 1 : i32
        %add3A_292 = arith.addi %mul3A_246, %add3A_291 : i32
        %get3A_293 = arith.index_cast %add3A_292 : i32 to index
        %get3A_294 = arith.constant 0 : index
        %get3A_295 = tpu.vector_load %arg6[%get3A_293, %get3A_294] {strides = array<i32>} : memref<64x128xf32, #tpu.memory_space<vmem>>, vector<1x16xf32>,
        %get3A_296 = vector.shape_cast %get3A_295 : vector<1x16xf32> to vector<16xf32>
        %get3A_297 = arith.index_cast %add3A_292 : i32 to index
        %get3A_298 = arith.constant 16 : index
        %get3A_299 = tpu.vector_load %arg6[%get3A_297, %get3A_298] {strides = array<i32>} : memref<64x128xf32, #tpu.memory_space<vmem>>, vector<1x16xf32>,
        %get3A_300 = vector.shape_cast %get3A_299 : vector<1x16xf32> to vector<16xf32>
        %get3A_301 = arith.index_cast %add3A_292 : i32 to index
        %get3A_302 = arith.constant 32 : index
        %get3A_303 = tpu.vector_load %arg6[%get3A_301, %get3A_302] {strides = array<i32>} : memref<64x128xf32, #tpu.memory_space<vmem>>, vector<1x16xf32>,
        %get3A_304 = vector.shape_cast %get3A_303 : vector<1x16xf32> to vector<16xf32>
        %get3A_305 = arith.index_cast %add3A_292 : i32 to index
        %get3A_306 = arith.constant 48 : index
        %get3A_307 = tpu.vector_load %arg6[%get3A_305, %get3A_306] {strides = array<i32>} : memref<64x128xf32, #tpu.memory_space<vmem>>, vector<1x16xf32>,
        %get3A_308 = vector.shape_cast %get3A_307 : vector<1x16xf32> to vector<16xf32>
        %get3A_309 = arith.index_cast %add3A_292 : i32 to index
        %get3A_310 = arith.constant 64 : index
        %get3A_311 = tpu.vector_load %arg6[%get3A_309, %get3A_310] {strides = array<i32>} : memref<64x128xf32, #tpu.memory_space<vmem>>, vector<1x16xf32>,
        %get3A_312 = vector.shape_cast %get3A_311 : vector<1x16xf32> to vector<16xf32>
        %get3A_313 = arith.index_cast %add3A_292 : i32 to index
        %get3A_314 = arith.constant 80 : index
        %get3A_315 = tpu.vector_load %arg6[%get3A_313, %get3A_314] {strides = array<i32>} : memref<64x128xf32, #tpu.memory_space<vmem>>, vector<1x16xf32>,
        %get3A_316 = vector.shape_cast %get3A_315 : vector<1x16xf32> to vector<16xf32>
        %get3A_317 = arith.index_cast %add3A_292 : i32 to index
        %get3A_318 = arith.constant 96 : index
        %get3A_319 = tpu.vector_load %arg6[%get3A_317, %get3A_318] {strides = array<i32>} : memref<64x128xf32, #tpu.memory_space<vmem>>, vector<1x16xf32>,
        %get3A_320 = vector.shape_cast %get3A_319 : vector<1x16xf32> to vector<16xf32>
        %get3A_321 = arith.index_cast %add3A_292 : i32 to index
        %get3A_322 = arith.constant 112 : index
        %get3A_323 = tpu.vector_load %arg6[%get3A_321, %get3A_322] {strides = array<i32>} : memref<64x128xf32, #tpu.memory_space<vmem>>, vector<1x16xf32>,
        %get3A_324 = vector.shape_cast %get3A_323 : vector<1x16xf32> to vector<16xf32>
        %add3A_325 = arith.addf %get3A_296, %get3A_300 : vector<16xf32>
        %add3A_326 = arith.addf %get3A_304, %get3A_308 : vector<16xf32>
        %add3A_327 = arith.addf %add3A_325, %add3A_326 : vector<16xf32>
        %add3A_328 = arith.addf %get3A_312, %get3A_316 : vector<16xf32>
        %add3A_329 = arith.addf %get3A_320, %get3A_324 : vector<16xf32>
        %add3A_330 = arith.addf %add3A_328, %add3A_329 : vector<16xf32>
        %add3A_331 = arith.addf %add3A_327, %add3A_330 : vector<16xf32>
        %add3A_332 = arith.constant 1 : i32
        %add3A_333 = arith.addi %mul3A_246, %add3A_332 : i32
        %mul3A_334 = arith.constant 16 : i32
        %mul3A_335 = arith.muli %add3A_333, %mul3A_334 : i32
        %swap3A_336 = arith.index_cast %add3A_180 : i32 to index
        %swap3A_337 = arith.index_cast %mul3A_335 : i32 to index
        %swap3A_338 = tpu.vector_load %arg8[%swap3A_336, %swap3A_337] {strides = array<i32>} : memref<8x1024xf32, #tpu.memory_space<vmem>>, vector<1x16xf32>,
        %swap3A_339 = vector.shape_cast %swap3A_338 : vector<1x16xf32> to vector<16xf32>
        %swap3A_340 = vector.shape_cast %add3A_331 : vector<16xf32> to vector<1x16xf32>
        tpu.vector_store %arg8[%swap3A_336, %swap3A_337], %swap3A_340 {strides = array<i32>} : memref<8x1024xf32, #tpu.memory_space<vmem>>, vector<1x16xf32>,
      }
      %scan3A_186 = arith.constant 32 : i32
      %add3A_187 = arith.constant 2 : i32
      %add3A_188 = arith.addi %add3A_164, %add3A_187 : i32
      %min3A = arith.constant 15 : i32
      %min3A_189 = arith.minsi %add3A_188, %min3A : i32
      %add3A_190 = arith.constant 24 : i32
      %add3A_191 = arith.addi %add3A_190, %select_n3A : i32
      %add3A_192 = arith.addi %mul3A_32, %min3A_189 : i32
      %mul3A_193 = arith.constant 128 : i32
      %mul3A_194 = arith.muli %add3A_192, %mul3A_193 : i32
      %dma_start3A_195 = arith.constant 0 : i32
      %dma_start3A_196 = tpu.memref_slice %arg2[%add3A_191, %dma_start3A_195, %mul3A_194] : memref<32x64x8192xf32, #tpu.memory_space<hbm>> -> memref<1x64x128xf32, #tpu.memory_space<hbm>>
      %dma_start3A_197 = tpu.memref_squeeze %dma_start3A_196 : memref<1x64x128xf32, #tpu.memory_space<hbm>> -> memref<64x128xf32, #tpu.memory_space<hbm>>
      %dma_start3A_198 = arith.constant 0 : i32
      %dma_start3A_199 = tpu.memref_slice %arg2[%add3A_191, %dma_start3A_198, %mul3A_194] : memref<32x64x8192xf32, #tpu.memory_space<hbm>> -> memref<1x64x128xf32, #tpu.memory_space<hbm>>
      %dma_start3A_200 = tpu.memref_squeeze %dma_start3A_199 : memref<1x64x128xf32, #tpu.memory_space<hbm>> -> memref<64x128xf32, #tpu.memory_space<hbm>>
      tpu.enqueue_dma source(%dma_start3A_200 : memref<64x128xf32, #tpu.memory_space<hbm>>) target(%arg6 : memref<64x128xf32, #tpu.memory_space<vmem>>) target_semaphore(%arg9 : memref<!tpu.dma_semaphore, #tpu.memory_space<semaphore_mem>>)
      %mul3A_201 = arith.constant 2 : i32
      %mul3A_202 = arith.muli %mul3A_201, %scan3A_158 : i32
      %add3A_203 = arith.constant 0 : i32
      %add3A_204 = arith.addi %add3A_203, %mul3A_202 : i32
      %add3A_205 = arith.constant 1 : i32
      %add3A_206 = arith.addi %add3A_204, %add3A_205 : i32
      %add3A_207 = arith.constant 24 : i32
      %add3A_208 = arith.addi %add3A_207, %select_n3A : i32
      %add3A_209 = arith.constant 0 : i32
      %add3A_210 = arith.addi %mul3A_32, %add3A_209 : i32
      %mul3A_211 = arith.constant 128 : i32
      %mul3A_212 = arith.muli %add3A_210, %mul3A_211 : i32
      %dma_wait3A_213 = arith.constant 0 : i32
      %dma_wait3A_214 = tpu.memref_slice %arg2[%add3A_208, %dma_wait3A_213, %mul3A_212] : memref<32x64x8192xf32, #tpu.memory_space<hbm>> -> memref<1x64x128xf32, #tpu.memory_space<hbm>>
      %dma_wait3A_215 = tpu.memref_squeeze %dma_wait3A_214 : memref<1x64x128xf32, #tpu.memory_space<hbm>> -> memref<64x128xf32, #tpu.memory_space<hbm>>
      %dma_wait3A_216 = arith.constant 0 : i32
      %dma_wait3A_217 = tpu.memref_slice %arg2[%add3A_208, %dma_wait3A_216, %mul3A_212] : memref<32x64x8192xf32, #tpu.memory_space<hbm>> -> memref<1x64x128xf32, #tpu.memory_space<hbm>>
      %dma_wait3A_218 = tpu.memref_squeeze %dma_wait3A_217 : memref<1x64x128xf32, #tpu.memory_space<hbm>> -> memref<64x128xf32, #tpu.memory_space<hbm>>
      tpu.wait_dma2 semaphore(%arg10 : memref<!tpu.dma_semaphore, #tpu.memory_space<semaphore_mem>>) src(%dma_wait3A_218 : memref<64x128xf32, #tpu.memory_space<hbm>>) dst(%arg7 : memref<64x128xf32, #tpu.memory_space<vmem>>)
      %mul3A_219 = arith.constant 2 : i32
      %mul3A_220 = arith.muli %mul3A_219, %scan3A_158 : i32
      %add3A_221 = arith.constant 1 : i32
      %add3A_222 = arith.addi %mul3A_220, %add3A_221 : i32
      %scan3A_223 = arith.constant 0 : i32
      %scan3A_224 = arith.constant 0 : i32
      %scan3A_225 = arith.constant 32 : i32
      %scan3A_226 = arith.addi %scan3A_224, %scan3A_225 : i32
      %scan3A_227 = arith.constant 1 : i32
      scf.for %scan3A_244 = %scan3A_224 to %scan3A_226 step %scan3A_227  : i32 {
        %mul3A_245 = arith.constant 2 : i32
        %mul3A_246 = arith.muli %mul3A_245, %scan3A_244 : i32
        %get3A = arith.index_cast %mul3A_246 : i32 to index
        %get3A_247 = arith.constant 0 : index
        %get3A_248 = tpu.vector_load %arg7[%get3A, %get3A_247] {strides = array<i32>} : memref<64x128xf32, #tpu.memory_space<vmem>>, vector<1x16xf32>,
        %get3A_249 = vector.shape_cast %get3A_248 : vector<1x16xf32> to vector<16xf32>
        %get3A_250 = arith.index_cast %mul3A_246 : i32 to index
        %get3A_251 = arith.constant 16 : index
        %get3A_252 = tpu.vector_load %arg7[%get3A_250, %get3A_251] {strides = array<i32>} : memref<64x128xf32, #tpu.memory_space<vmem>>, vector<1x16xf32>,
        %get3A_253 = vector.shape_cast %get3A_252 : vector<1x16xf32> to vector<16xf32>
        %get3A_254 = arith.index_cast %mul3A_246 : i32 to index
        %get3A_255 = arith.constant 32 : index
        %get3A_256 = tpu.vector_load %arg7[%get3A_254, %get3A_255] {strides = array<i32>} : memref<64x128xf32, #tpu.memory_space<vmem>>, vector<1x16xf32>,
        %get3A_257 = vector.shape_cast %get3A_256 : vector<1x16xf32> to vector<16xf32>
        %get3A_258 = arith.index_cast %mul3A_246 : i32 to index
        %get3A_259 = arith.constant 48 : index
        %get3A_260 = tpu.vector_load %arg7[%get3A_258, %get3A_259] {strides = array<i32>} : memref<64x128xf32, #tpu.memory_space<vmem>>, vector<1x16xf32>,
        %get3A_261 = vector.shape_cast %get3A_260 : vector<1x16xf32> to vector<16xf32>
        %get3A_262 = arith.index_cast %mul3A_246 : i32 to index
        %get3A_263 = arith.constant 64 : index
        %get3A_264 = tpu.vector_load %arg7[%get3A_262, %get3A_263] {strides = array<i32>} : memref<64x128xf32, #tpu.memory_space<vmem>>, vector<1x16xf32>,
        %get3A_265 = vector.shape_cast %get3A_264 : vector<1x16xf32> to vector<16xf32>
        %get3A_266 = arith.index_cast %mul3A_246 : i32 to index
        %get3A_267 = arith.constant 80 : index
        %get3A_268 = tpu.vector_load %arg7[%get3A_266, %get3A_267] {strides = array<i32>} : memref<64x128xf32, #tpu.memory_space<vmem>>, vector<1x16xf32>,
        %get3A_269 = vector.shape_cast %get3A_268 : vector<1x16xf32> to vector<16xf32>
        %get3A_270 = arith.index_cast %mul3A_246 : i32 to index
        %get3A_271 = arith.constant 96 : index
        %get3A_272 = tpu.vector_load %arg7[%get3A_270, %get3A_271] {strides = array<i32>} : memref<64x128xf32, #tpu.memory_space<vmem>>, vector<1x16xf32>,
        %get3A_273 = vector.shape_cast %get3A_272 : vector<1x16xf32> to vector<16xf32>
        %get3A_274 = arith.index_cast %mul3A_246 : i32 to index
        %get3A_275 = arith.constant 112 : index
        %get3A_276 = tpu.vector_load %arg7[%get3A_274, %get3A_275] {strides = array<i32>} : memref<64x128xf32, #tpu.memory_space<vmem>>, vector<1x16xf32>,
        %get3A_277 = vector.shape_cast %get3A_276 : vector<1x16xf32> to vector<16xf32>
        %add3A_278 = arith.addf %get3A_249, %get3A_253 : vector<16xf32>
        %add3A_279 = arith.addf %get3A_257, %get3A_261 : vector<16xf32>
        %add3A_280 = arith.addf %add3A_278, %add3A_279 : vector<16xf32>
        %add3A_281 = arith.addf %get3A_265, %get3A_269 : vector<16xf32>
        %add3A_282 = arith.addf %get3A_273, %get3A_277 : vector<16xf32>
        %add3A_283 = arith.addf %add3A_281, %add3A_282 : vector<16xf32>
        %add3A_284 = arith.addf %add3A_280, %add3A_283 : vector<16xf32>
        %mul3A_285 = arith.constant 16 : i32
        %mul3A_286 = arith.muli %mul3A_246, %mul3A_285 : i32
        %swap3A = arith.index_cast %add3A_222 : i32 to index
        %swap3A_287 = arith.index_cast %mul3A_286 : i32 to index
        %swap3A_288 = tpu.vector_load %arg8[%swap3A, %swap3A_287] {strides = array<i32>} : memref<8x1024xf32, #tpu.memory_space<vmem>>, vector<1x16xf32>,
        %swap3A_289 = vector.shape_cast %swap3A_288 : vector<1x16xf32> to vector<16xf32>
        %swap3A_290 = vector.shape_cast %add3A_284 : vector<16xf32> to vector<1x16xf32>
        tpu.vector_store %arg8[%swap3A, %swap3A_287], %swap3A_290 {strides = array<i32>} : memref<8x1024xf32, #tpu.memory_space<vmem>>, vector<1x16xf32>,
        %add3A_291 = arith.constant 1 : i32
        %add3A_292 = arith.addi %mul3A_246, %add3A_291 : i32
        %get3A_293 = arith.index_cast %add3A_292 : i32 to index
        %get3A_294 = arith.constant 0 : index
        %get3A_295 = tpu.vector_load %arg7[%get3A_293, %get3A_294] {strides = array<i32>} : memref<64x128xf32, #tpu.memory_space<vmem>>, vector<1x16xf32>,
        %get3A_296 = vector.shape_cast %get3A_295 : vector<1x16xf32> to vector<16xf32>
        %get3A_297 = arith.index_cast %add3A_292 : i32 to index
        %get3A_298 = arith.constant 16 : index
        %get3A_299 = tpu.vector_load %arg7[%get3A_297, %get3A_298] {strides = array<i32>} : memref<64x128xf32, #tpu.memory_space<vmem>>, vector<1x16xf32>,
        %get3A_300 = vector.shape_cast %get3A_299 : vector<1x16xf32> to vector<16xf32>
        %get3A_301 = arith.index_cast %add3A_292 : i32 to index
        %get3A_302 = arith.constant 32 : index
        %get3A_303 = tpu.vector_load %arg7[%get3A_301, %get3A_302] {strides = array<i32>} : memref<64x128xf32, #tpu.memory_space<vmem>>, vector<1x16xf32>,
        %get3A_304 = vector.shape_cast %get3A_303 : vector<1x16xf32> to vector<16xf32>
        %get3A_305 = arith.index_cast %add3A_292 : i32 to index
        %get3A_306 = arith.constant 48 : index
        %get3A_307 = tpu.vector_load %arg7[%get3A_305, %get3A_306] {strides = array<i32>} : memref<64x128xf32, #tpu.memory_space<vmem>>, vector<1x16xf32>,
        %get3A_308 = vector.shape_cast %get3A_307 : vector<1x16xf32> to vector<16xf32>
        %get3A_309 = arith.index_cast %add3A_292 : i32 to index
        %get3A_310 = arith.constant 64 : index
        %get3A_311 = tpu.vector_load %arg7[%get3A_309, %get3A_310] {strides = array<i32>} : memref<64x128xf32, #tpu.memory_space<vmem>>, vector<1x16xf32>,
        %get3A_312 = vector.shape_cast %get3A_311 : vector<1x16xf32> to vector<16xf32>
        %get3A_313 = arith.index_cast %add3A_292 : i32 to index
        %get3A_314 = arith.constant 80 : index
        %get3A_315 = tpu.vector_load %arg7[%get3A_313, %get3A_314] {strides = array<i32>} : memref<64x128xf32, #tpu.memory_space<vmem>>, vector<1x16xf32>,
        %get3A_316 = vector.shape_cast %get3A_315 : vector<1x16xf32> to vector<16xf32>
        %get3A_317 = arith.index_cast %add3A_292 : i32 to index
        %get3A_318 = arith.constant 96 : index
        %get3A_319 = tpu.vector_load %arg7[%get3A_317, %get3A_318] {strides = array<i32>} : memref<64x128xf32, #tpu.memory_space<vmem>>, vector<1x16xf32>,
        %get3A_320 = vector.shape_cast %get3A_319 : vector<1x16xf32> to vector<16xf32>
        %get3A_321 = arith.index_cast %add3A_292 : i32 to index
        %get3A_322 = arith.constant 112 : index
        %get3A_323 = tpu.vector_load %arg7[%get3A_321, %get3A_322] {strides = array<i32>} : memref<64x128xf32, #tpu.memory_space<vmem>>, vector<1x16xf32>,
        %get3A_324 = vector.shape_cast %get3A_323 : vector<1x16xf32> to vector<16xf32>
        %add3A_325 = arith.addf %get3A_296, %get3A_300 : vector<16xf32>
        %add3A_326 = arith.addf %get3A_304, %get3A_308 : vector<16xf32>
        %add3A_327 = arith.addf %add3A_325, %add3A_326 : vector<16xf32>
        %add3A_328 = arith.addf %get3A_312, %get3A_316 : vector<16xf32>
        %add3A_329 = arith.addf %get3A_320, %get3A_324 : vector<16xf32>
        %add3A_330 = arith.addf %add3A_328, %add3A_329 : vector<16xf32>
        %add3A_331 = arith.addf %add3A_327, %add3A_330 : vector<16xf32>
        %add3A_332 = arith.constant 1 : i32
        %add3A_333 = arith.addi %mul3A_246, %add3A_332 : i32
        %mul3A_334 = arith.constant 16 : i32
        %mul3A_335 = arith.muli %add3A_333, %mul3A_334 : i32
        %swap3A_336 = arith.index_cast %add3A_222 : i32 to index
        %swap3A_337 = arith.index_cast %mul3A_335 : i32 to index
        %swap3A_338 = tpu.vector_load %arg8[%swap3A_336, %swap3A_337] {strides = array<i32>} : memref<8x1024xf32, #tpu.memory_space<vmem>>, vector<1x16xf32>,
        %swap3A_339 = vector.shape_cast %swap3A_338 : vector<1x16xf32> to vector<16xf32>
        %swap3A_340 = vector.shape_cast %add3A_331 : vector<16xf32> to vector<1x16xf32>
        tpu.vector_store %arg8[%swap3A_336, %swap3A_337], %swap3A_340 {strides = array<i32>} : memref<8x1024xf32, #tpu.memory_space<vmem>>, vector<1x16xf32>,
      }
      %scan3A_228 = arith.constant 32 : i32
      %add3A_229 = arith.constant 2 : i32
      %add3A_230 = arith.addi %add3A_206, %add3A_229 : i32
      %min3A_231 = arith.constant 15 : i32
      %min3A_232 = arith.minsi %add3A_230, %min3A_231 : i32
      %add3A_233 = arith.constant 24 : i32
      %add3A_234 = arith.addi %add3A_233, %select_n3A : i32
      %add3A_235 = arith.addi %mul3A_32, %min3A_232 : i32
      %mul3A_236 = arith.constant 128 : i32
      %mul3A_237 = arith.muli %add3A_235, %mul3A_236 : i32
      %dma_start3A_238 = arith.constant 0 : i32
      %dma_start3A_239 = tpu.memref_slice %arg2[%add3A_234, %dma_start3A_238, %mul3A_237] : memref<32x64x8192xf32, #tpu.memory_space<hbm>> -> memref<1x64x128xf32, #tpu.memory_space<hbm>>
      %dma_start3A_240 = tpu.memref_squeeze %dma_start3A_239 : memref<1x64x128xf32, #tpu.memory_space<hbm>> -> memref<64x128xf32, #tpu.memory_space<hbm>>
      %dma_start3A_241 = arith.constant 0 : i32
      %dma_start3A_242 = tpu.memref_slice %arg2[%add3A_234, %dma_start3A_241, %mul3A_237] : memref<32x64x8192xf32, #tpu.memory_space<hbm>> -> memref<1x64x128xf32, #tpu.memory_space<hbm>>
      %dma_start3A_243 = tpu.memref_squeeze %dma_start3A_242 : memref<1x64x128xf32, #tpu.memory_space<hbm>> -> memref<64x128xf32, #tpu.memory_space<hbm>>
      tpu.enqueue_dma source(%dma_start3A_243 : memref<64x128xf32, #tpu.memory_space<hbm>>) target(%arg7 : memref<64x128xf32, #tpu.memory_space<vmem>>) target_semaphore(%arg10 : memref<!tpu.dma_semaphore, #tpu.memory_space<semaphore_mem>>)
    }
    %scan3A_60 = arith.constant 4 : i32
    %add3A_61 = arith.constant 0 : i32
    %add3A_62 = arith.addi %mul3A_32, %add3A_61 : i32
    "tpu.region"() ({
      %run_scoped3A = tpu.sem_alloc : memref<!tpu.dma_semaphore, #tpu.memory_space<semaphore_mem>>
      %dma_start3A_158 = arith.constant 0 : i32
      %dma_start3A_159 = tpu.memref_slice %arg4[%select_n3A, %add3A_62, %dma_start3A_158] : memref<8x64x1024xf32, #tpu.memory_space<hbm>> -> memref<1x8x1024xf32, #tpu.memory_space<hbm>>
      %dma_start3A_160 = tpu.memref_squeeze %dma_start3A_159 : memref<1x8x1024xf32, #tpu.memory_space<hbm>> -> memref<8x1024xf32, #tpu.memory_space<hbm>>
      %dma_start3A_161 = arith.constant 0 : i32
      %dma_start3A_162 = tpu.memref_slice %arg4[%select_n3A, %add3A_62, %dma_start3A_161] : memref<8x64x1024xf32, #tpu.memory_space<hbm>> -> memref<1x8x1024xf32, #tpu.memory_space<hbm>>
      %dma_start3A_163 = tpu.memref_squeeze %dma_start3A_162 : memref<1x8x1024xf32, #tpu.memory_space<hbm>> -> memref<8x1024xf32, #tpu.memory_space<hbm>>
      tpu.enqueue_dma source(%arg8 : memref<8x1024xf32, #tpu.memory_space<vmem>>) target(%dma_start3A_163 : memref<8x1024xf32, #tpu.memory_space<hbm>>) target_semaphore(%run_scoped3A : memref<!tpu.dma_semaphore, #tpu.memory_space<semaphore_mem>>)
      %dma_wait3A_164 = arith.constant 0 : i32
      %dma_wait3A_165 = tpu.memref_slice %arg4[%select_n3A, %add3A_62, %dma_wait3A_164] : memref<8x64x1024xf32, #tpu.memory_space<hbm>> -> memref<1x8x1024xf32, #tpu.memory_space<hbm>>
      %dma_wait3A_166 = tpu.memref_squeeze %dma_wait3A_165 : memref<1x8x1024xf32, #tpu.memory_space<hbm>> -> memref<8x1024xf32, #tpu.memory_space<hbm>>
      %dma_wait3A_167 = arith.constant 0 : i32
      %dma_wait3A_168 = tpu.memref_slice %arg4[%select_n3A, %add3A_62, %dma_wait3A_167] : memref<8x64x1024xf32, #tpu.memory_space<hbm>> -> memref<1x8x1024xf32, #tpu.memory_space<hbm>>
      %dma_wait3A_169 = tpu.memref_squeeze %dma_wait3A_168 : memref<1x8x1024xf32, #tpu.memory_space<hbm>> -> memref<8x1024xf32, #tpu.memory_space<hbm>>
      tpu.wait_dma2 semaphore(%run_scoped3A : memref<!tpu.dma_semaphore, #tpu.memory_space<semaphore_mem>>) src(%arg8 : memref<8x1024xf32, #tpu.memory_space<vmem>>) dst(%dma_wait3A_169 : memref<8x1024xf32, #tpu.memory_space<hbm>>)
      tpu.yield
    }) : () -> ()
    %scan3A_63 = arith.constant 0 : i32
    %scan3A_64 = arith.constant 0 : i32
    %scan3A_65 = arith.constant 4 : i32
    %scan3A_66 = arith.addi %scan3A_64, %scan3A_65 : i32
    %scan3A_67 = arith.constant 1 : i32
    scf.for %scan3A_158 = %scan3A_64 to %scan3A_66 step %scan3A_67  : i32 {
      %mul3A_159 = arith.constant 2 : i32
      %mul3A_160 = arith.muli %mul3A_159, %scan3A_158 : i32
      %add3A_161 = arith.constant 8 : i32
      %add3A_162 = arith.addi %add3A_161, %mul3A_160 : i32
      %add3A_163 = arith.constant 0 : i32
      %add3A_164 = arith.addi %add3A_162, %add3A_163 : i32
      %add3A_165 = arith.constant 24 : i32
      %add3A_166 = arith.addi %add3A_165, %select_n3A : i32
      %add3A_167 = arith.constant 0 : i32
      %add3A_168 = arith.addi %mul3A_32, %add3A_167 : i32
      %mul3A_169 = arith.constant 128 : i32
      %mul3A_170 = arith.muli %add3A_168, %mul3A_169 : i32
      %dma_wait3A_171 = arith.constant 0 : i32
      %dma_wait3A_172 = tpu.memref_slice %arg2[%add3A_166, %dma_wait3A_171, %mul3A_170] : memref<32x64x8192xf32, #tpu.memory_space<hbm>> -> memref<1x64x128xf32, #tpu.memory_space<hbm>>
      %dma_wait3A_173 = tpu.memref_squeeze %dma_wait3A_172 : memref<1x64x128xf32, #tpu.memory_space<hbm>> -> memref<64x128xf32, #tpu.memory_space<hbm>>
      %dma_wait3A_174 = arith.constant 0 : i32
      %dma_wait3A_175 = tpu.memref_slice %arg2[%add3A_166, %dma_wait3A_174, %mul3A_170] : memref<32x64x8192xf32, #tpu.memory_space<hbm>> -> memref<1x64x128xf32, #tpu.memory_space<hbm>>
      %dma_wait3A_176 = tpu.memref_squeeze %dma_wait3A_175 : memref<1x64x128xf32, #tpu.memory_space<hbm>> -> memref<64x128xf32, #tpu.memory_space<hbm>>
      tpu.wait_dma2 semaphore(%arg9 : memref<!tpu.dma_semaphore, #tpu.memory_space<semaphore_mem>>) src(%dma_wait3A_176 : memref<64x128xf32, #tpu.memory_space<hbm>>) dst(%arg6 : memref<64x128xf32, #tpu.memory_space<vmem>>)
      %mul3A_177 = arith.constant 2 : i32
      %mul3A_178 = arith.muli %mul3A_177, %scan3A_158 : i32
      %add3A_179 = arith.constant 0 : i32
      %add3A_180 = arith.addi %mul3A_178, %add3A_179 : i32
      %scan3A_181 = arith.constant 0 : i32
      %scan3A_182 = arith.constant 0 : i32
      %scan3A_183 = arith.constant 32 : i32
      %scan3A_184 = arith.addi %scan3A_182, %scan3A_183 : i32
      %scan3A_185 = arith.constant 1 : i32
      scf.for %scan3A_244 = %scan3A_182 to %scan3A_184 step %scan3A_185  : i32 {
        %mul3A_245 = arith.constant 2 : i32
        %mul3A_246 = arith.muli %mul3A_245, %scan3A_244 : i32
        %get3A = arith.index_cast %mul3A_246 : i32 to index
        %get3A_247 = arith.constant 0 : index
        %get3A_248 = tpu.vector_load %arg6[%get3A, %get3A_247] {strides = array<i32>} : memref<64x128xf32, #tpu.memory_space<vmem>>, vector<1x16xf32>,
        %get3A_249 = vector.shape_cast %get3A_248 : vector<1x16xf32> to vector<16xf32>
        %get3A_250 = arith.index_cast %mul3A_246 : i32 to index
        %get3A_251 = arith.constant 16 : index
        %get3A_252 = tpu.vector_load %arg6[%get3A_250, %get3A_251] {strides = array<i32>} : memref<64x128xf32, #tpu.memory_space<vmem>>, vector<1x16xf32>,
        %get3A_253 = vector.shape_cast %get3A_252 : vector<1x16xf32> to vector<16xf32>
        %get3A_254 = arith.index_cast %mul3A_246 : i32 to index
        %get3A_255 = arith.constant 32 : index
        %get3A_256 = tpu.vector_load %arg6[%get3A_254, %get3A_255] {strides = array<i32>} : memref<64x128xf32, #tpu.memory_space<vmem>>, vector<1x16xf32>,
        %get3A_257 = vector.shape_cast %get3A_256 : vector<1x16xf32> to vector<16xf32>
        %get3A_258 = arith.index_cast %mul3A_246 : i32 to index
        %get3A_259 = arith.constant 48 : index
        %get3A_260 = tpu.vector_load %arg6[%get3A_258, %get3A_259] {strides = array<i32>} : memref<64x128xf32, #tpu.memory_space<vmem>>, vector<1x16xf32>,
        %get3A_261 = vector.shape_cast %get3A_260 : vector<1x16xf32> to vector<16xf32>
        %get3A_262 = arith.index_cast %mul3A_246 : i32 to index
        %get3A_263 = arith.constant 64 : index
        %get3A_264 = tpu.vector_load %arg6[%get3A_262, %get3A_263] {strides = array<i32>} : memref<64x128xf32, #tpu.memory_space<vmem>>, vector<1x16xf32>,
        %get3A_265 = vector.shape_cast %get3A_264 : vector<1x16xf32> to vector<16xf32>
        %get3A_266 = arith.index_cast %mul3A_246 : i32 to index
        %get3A_267 = arith.constant 80 : index
        %get3A_268 = tpu.vector_load %arg6[%get3A_266, %get3A_267] {strides = array<i32>} : memref<64x128xf32, #tpu.memory_space<vmem>>, vector<1x16xf32>,
        %get3A_269 = vector.shape_cast %get3A_268 : vector<1x16xf32> to vector<16xf32>
        %get3A_270 = arith.index_cast %mul3A_246 : i32 to index
        %get3A_271 = arith.constant 96 : index
        %get3A_272 = tpu.vector_load %arg6[%get3A_270, %get3A_271] {strides = array<i32>} : memref<64x128xf32, #tpu.memory_space<vmem>>, vector<1x16xf32>,
        %get3A_273 = vector.shape_cast %get3A_272 : vector<1x16xf32> to vector<16xf32>
        %get3A_274 = arith.index_cast %mul3A_246 : i32 to index
        %get3A_275 = arith.constant 112 : index
        %get3A_276 = tpu.vector_load %arg6[%get3A_274, %get3A_275] {strides = array<i32>} : memref<64x128xf32, #tpu.memory_space<vmem>>, vector<1x16xf32>,
        %get3A_277 = vector.shape_cast %get3A_276 : vector<1x16xf32> to vector<16xf32>
        %add3A_278 = arith.addf %get3A_249, %get3A_253 : vector<16xf32>
        %add3A_279 = arith.addf %get3A_257, %get3A_261 : vector<16xf32>
        %add3A_280 = arith.addf %add3A_278, %add3A_279 : vector<16xf32>
        %add3A_281 = arith.addf %get3A_265, %get3A_269 : vector<16xf32>
        %add3A_282 = arith.addf %get3A_273, %get3A_277 : vector<16xf32>
        %add3A_283 = arith.addf %add3A_281, %add3A_282 : vector<16xf32>
        %add3A_284 = arith.addf %add3A_280, %add3A_283 : vector<16xf32>
        %mul3A_285 = arith.constant 16 : i32
        %mul3A_286 = arith.muli %mul3A_246, %mul3A_285 : i32
        %swap3A = arith.index_cast %add3A_180 : i32 to index
        %swap3A_287 = arith.index_cast %mul3A_286 : i32 to index
        %swap3A_288 = tpu.vector_load %arg8[%swap3A, %swap3A_287] {strides = array<i32>} : memref<8x1024xf32, #tpu.memory_space<vmem>>, vector<1x16xf32>,
        %swap3A_289 = vector.shape_cast %swap3A_288 : vector<1x16xf32> to vector<16xf32>
        %swap3A_290 = vector.shape_cast %add3A_284 : vector<16xf32> to vector<1x16xf32>
        tpu.vector_store %arg8[%swap3A, %swap3A_287], %swap3A_290 {strides = array<i32>} : memref<8x1024xf32, #tpu.memory_space<vmem>>, vector<1x16xf32>,
        %add3A_291 = arith.constant 1 : i32
        %add3A_292 = arith.addi %mul3A_246, %add3A_291 : i32
        %get3A_293 = arith.index_cast %add3A_292 : i32 to index
        %get3A_294 = arith.constant 0 : index
        %get3A_295 = tpu.vector_load %arg6[%get3A_293, %get3A_294] {strides = array<i32>} : memref<64x128xf32, #tpu.memory_space<vmem>>, vector<1x16xf32>,
        %get3A_296 = vector.shape_cast %get3A_295 : vector<1x16xf32> to vector<16xf32>
        %get3A_297 = arith.index_cast %add3A_292 : i32 to index
        %get3A_298 = arith.constant 16 : index
        %get3A_299 = tpu.vector_load %arg6[%get3A_297, %get3A_298] {strides = array<i32>} : memref<64x128xf32, #tpu.memory_space<vmem>>, vector<1x16xf32>,
        %get3A_300 = vector.shape_cast %get3A_299 : vector<1x16xf32> to vector<16xf32>
        %get3A_301 = arith.index_cast %add3A_292 : i32 to index
        %get3A_302 = arith.constant 32 : index
        %get3A_303 = tpu.vector_load %arg6[%get3A_301, %get3A_302] {strides = array<i32>} : memref<64x128xf32, #tpu.memory_space<vmem>>, vector<1x16xf32>,
        %get3A_304 = vector.shape_cast %get3A_303 : vector<1x16xf32> to vector<16xf32>
        %get3A_305 = arith.index_cast %add3A_292 : i32 to index
        %get3A_306 = arith.constant 48 : index
        %get3A_307 = tpu.vector_load %arg6[%get3A_305, %get3A_306] {strides = array<i32>} : memref<64x128xf32, #tpu.memory_space<vmem>>, vector<1x16xf32>,
        %get3A_308 = vector.shape_cast %get3A_307 : vector<1x16xf32> to vector<16xf32>
        %get3A_309 = arith.index_cast %add3A_292 : i32 to index
        %get3A_310 = arith.constant 64 : index
        %get3A_311 = tpu.vector_load %arg6[%get3A_309, %get3A_310] {strides = array<i32>} : memref<64x128xf32, #tpu.memory_space<vmem>>, vector<1x16xf32>,
        %get3A_312 = vector.shape_cast %get3A_311 : vector<1x16xf32> to vector<16xf32>
        %get3A_313 = arith.index_cast %add3A_292 : i32 to index
        %get3A_314 = arith.constant 80 : index
        %get3A_315 = tpu.vector_load %arg6[%get3A_313, %get3A_314] {strides = array<i32>} : memref<64x128xf32, #tpu.memory_space<vmem>>, vector<1x16xf32>,
        %get3A_316 = vector.shape_cast %get3A_315 : vector<1x16xf32> to vector<16xf32>
        %get3A_317 = arith.index_cast %add3A_292 : i32 to index
        %get3A_318 = arith.constant 96 : index
        %get3A_319 = tpu.vector_load %arg6[%get3A_317, %get3A_318] {strides = array<i32>} : memref<64x128xf32, #tpu.memory_space<vmem>>, vector<1x16xf32>,
        %get3A_320 = vector.shape_cast %get3A_319 : vector<1x16xf32> to vector<16xf32>
        %get3A_321 = arith.index_cast %add3A_292 : i32 to index
        %get3A_322 = arith.constant 112 : index
        %get3A_323 = tpu.vector_load %arg6[%get3A_321, %get3A_322] {strides = array<i32>} : memref<64x128xf32, #tpu.memory_space<vmem>>, vector<1x16xf32>,
        %get3A_324 = vector.shape_cast %get3A_323 : vector<1x16xf32> to vector<16xf32>
        %add3A_325 = arith.addf %get3A_296, %get3A_300 : vector<16xf32>
        %add3A_326 = arith.addf %get3A_304, %get3A_308 : vector<16xf32>
        %add3A_327 = arith.addf %add3A_325, %add3A_326 : vector<16xf32>
        %add3A_328 = arith.addf %get3A_312, %get3A_316 : vector<16xf32>
        %add3A_329 = arith.addf %get3A_320, %get3A_324 : vector<16xf32>
        %add3A_330 = arith.addf %add3A_328, %add3A_329 : vector<16xf32>
        %add3A_331 = arith.addf %add3A_327, %add3A_330 : vector<16xf32>
        %add3A_332 = arith.constant 1 : i32
        %add3A_333 = arith.addi %mul3A_246, %add3A_332 : i32
        %mul3A_334 = arith.constant 16 : i32
        %mul3A_335 = arith.muli %add3A_333, %mul3A_334 : i32
        %swap3A_336 = arith.index_cast %add3A_180 : i32 to index
        %swap3A_337 = arith.index_cast %mul3A_335 : i32 to index
        %swap3A_338 = tpu.vector_load %arg8[%swap3A_336, %swap3A_337] {strides = array<i32>} : memref<8x1024xf32, #tpu.memory_space<vmem>>, vector<1x16xf32>,
        %swap3A_339 = vector.shape_cast %swap3A_338 : vector<1x16xf32> to vector<16xf32>
        %swap3A_340 = vector.shape_cast %add3A_331 : vector<16xf32> to vector<1x16xf32>
        tpu.vector_store %arg8[%swap3A_336, %swap3A_337], %swap3A_340 {strides = array<i32>} : memref<8x1024xf32, #tpu.memory_space<vmem>>, vector<1x16xf32>,
      }
      %scan3A_186 = arith.constant 32 : i32
      %add3A_187 = arith.constant 2 : i32
      %add3A_188 = arith.addi %add3A_164, %add3A_187 : i32
      %min3A = arith.constant 15 : i32
      %min3A_189 = arith.minsi %add3A_188, %min3A : i32
      %add3A_190 = arith.constant 24 : i32
      %add3A_191 = arith.addi %add3A_190, %select_n3A : i32
      %add3A_192 = arith.addi %mul3A_32, %min3A_189 : i32
      %mul3A_193 = arith.constant 128 : i32
      %mul3A_194 = arith.muli %add3A_192, %mul3A_193 : i32
      %dma_start3A_195 = arith.constant 0 : i32
      %dma_start3A_196 = tpu.memref_slice %arg2[%add3A_191, %dma_start3A_195, %mul3A_194] : memref<32x64x8192xf32, #tpu.memory_space<hbm>> -> memref<1x64x128xf32, #tpu.memory_space<hbm>>
      %dma_start3A_197 = tpu.memref_squeeze %dma_start3A_196 : memref<1x64x128xf32, #tpu.memory_space<hbm>> -> memref<64x128xf32, #tpu.memory_space<hbm>>
      %dma_start3A_198 = arith.constant 0 : i32
      %dma_start3A_199 = tpu.memref_slice %arg2[%add3A_191, %dma_start3A_198, %mul3A_194] : memref<32x64x8192xf32, #tpu.memory_space<hbm>> -> memref<1x64x128xf32, #tpu.memory_space<hbm>>
      %dma_start3A_200 = tpu.memref_squeeze %dma_start3A_199 : memref<1x64x128xf32, #tpu.memory_space<hbm>> -> memref<64x128xf32, #tpu.memory_space<hbm>>
      tpu.enqueue_dma source(%dma_start3A_200 : memref<64x128xf32, #tpu.memory_space<hbm>>) target(%arg6 : memref<64x128xf32, #tpu.memory_space<vmem>>) target_semaphore(%arg9 : memref<!tpu.dma_semaphore, #tpu.memory_space<semaphore_mem>>)
      %mul3A_201 = arith.constant 2 : i32
      %mul3A_202 = arith.muli %mul3A_201, %scan3A_158 : i32
      %add3A_203 = arith.constant 8 : i32
      %add3A_204 = arith.addi %add3A_203, %mul3A_202 : i32
      %add3A_205 = arith.constant 1 : i32
      %add3A_206 = arith.addi %add3A_204, %add3A_205 : i32
      %add3A_207 = arith.constant 24 : i32
      %add3A_208 = arith.addi %add3A_207, %select_n3A : i32
      %add3A_209 = arith.constant 0 : i32
      %add3A_210 = arith.addi %mul3A_32, %add3A_209 : i32
      %mul3A_211 = arith.constant 128 : i32
      %mul3A_212 = arith.muli %add3A_210, %mul3A_211 : i32
      %dma_wait3A_213 = arith.constant 0 : i32
      %dma_wait3A_214 = tpu.memref_slice %arg2[%add3A_208, %dma_wait3A_213, %mul3A_212] : memref<32x64x8192xf32, #tpu.memory_space<hbm>> -> memref<1x64x128xf32, #tpu.memory_space<hbm>>
      %dma_wait3A_215 = tpu.memref_squeeze %dma_wait3A_214 : memref<1x64x128xf32, #tpu.memory_space<hbm>> -> memref<64x128xf32, #tpu.memory_space<hbm>>
      %dma_wait3A_216 = arith.constant 0 : i32
      %dma_wait3A_217 = tpu.memref_slice %arg2[%add3A_208, %dma_wait3A_216, %mul3A_212] : memref<32x64x8192xf32, #tpu.memory_space<hbm>> -> memref<1x64x128xf32, #tpu.memory_space<hbm>>
      %dma_wait3A_218 = tpu.memref_squeeze %dma_wait3A_217 : memref<1x64x128xf32, #tpu.memory_space<hbm>> -> memref<64x128xf32, #tpu.memory_space<hbm>>
      tpu.wait_dma2 semaphore(%arg10 : memref<!tpu.dma_semaphore, #tpu.memory_space<semaphore_mem>>) src(%dma_wait3A_218 : memref<64x128xf32, #tpu.memory_space<hbm>>) dst(%arg7 : memref<64x128xf32, #tpu.memory_space<vmem>>)
      %mul3A_219 = arith.constant 2 : i32
      %mul3A_220 = arith.muli %mul3A_219, %scan3A_158 : i32
      %add3A_221 = arith.constant 1 : i32
      %add3A_222 = arith.addi %mul3A_220, %add3A_221 : i32
      %scan3A_223 = arith.constant 0 : i32
      %scan3A_224 = arith.constant 0 : i32
      %scan3A_225 = arith.constant 32 : i32
      %scan3A_226 = arith.addi %scan3A_224, %scan3A_225 : i32
      %scan3A_227 = arith.constant 1 : i32
      scf.for %scan3A_244 = %scan3A_224 to %scan3A_226 step %scan3A_227  : i32 {
        %mul3A_245 = arith.constant 2 : i32
        %mul3A_246 = arith.muli %mul3A_245, %scan3A_244 : i32
        %get3A = arith.index_cast %mul3A_246 : i32 to index
        %get3A_247 = arith.constant 0 : index
        %get3A_248 = tpu.vector_load %arg7[%get3A, %get3A_247] {strides = array<i32>} : memref<64x128xf32, #tpu.memory_space<vmem>>, vector<1x16xf32>,
        %get3A_249 = vector.shape_cast %get3A_248 : vector<1x16xf32> to vector<16xf32>
        %get3A_250 = arith.index_cast %mul3A_246 : i32 to index
        %get3A_251 = arith.constant 16 : index
        %get3A_252 = tpu.vector_load %arg7[%get3A_250, %get3A_251] {strides = array<i32>} : memref<64x128xf32, #tpu.memory_space<vmem>>, vector<1x16xf32>,
        %get3A_253 = vector.shape_cast %get3A_252 : vector<1x16xf32> to vector<16xf32>
        %get3A_254 = arith.index_cast %mul3A_246 : i32 to index
        %get3A_255 = arith.constant 32 : index
        %get3A_256 = tpu.vector_load %arg7[%get3A_254, %get3A_255] {strides = array<i32>} : memref<64x128xf32, #tpu.memory_space<vmem>>, vector<1x16xf32>,
        %get3A_257 = vector.shape_cast %get3A_256 : vector<1x16xf32> to vector<16xf32>
        %get3A_258 = arith.index_cast %mul3A_246 : i32 to index
        %get3A_259 = arith.constant 48 : index
        %get3A_260 = tpu.vector_load %arg7[%get3A_258, %get3A_259] {strides = array<i32>} : memref<64x128xf32, #tpu.memory_space<vmem>>, vector<1x16xf32>,
        %get3A_261 = vector.shape_cast %get3A_260 : vector<1x16xf32> to vector<16xf32>
        %get3A_262 = arith.index_cast %mul3A_246 : i32 to index
        %get3A_263 = arith.constant 64 : index
        %get3A_264 = tpu.vector_load %arg7[%get3A_262, %get3A_263] {strides = array<i32>} : memref<64x128xf32, #tpu.memory_space<vmem>>, vector<1x16xf32>,
        %get3A_265 = vector.shape_cast %get3A_264 : vector<1x16xf32> to vector<16xf32>
        %get3A_266 = arith.index_cast %mul3A_246 : i32 to index
        %get3A_267 = arith.constant 80 : index
        %get3A_268 = tpu.vector_load %arg7[%get3A_266, %get3A_267] {strides = array<i32>} : memref<64x128xf32, #tpu.memory_space<vmem>>, vector<1x16xf32>,
        %get3A_269 = vector.shape_cast %get3A_268 : vector<1x16xf32> to vector<16xf32>
        %get3A_270 = arith.index_cast %mul3A_246 : i32 to index
        %get3A_271 = arith.constant 96 : index
        %get3A_272 = tpu.vector_load %arg7[%get3A_270, %get3A_271] {strides = array<i32>} : memref<64x128xf32, #tpu.memory_space<vmem>>, vector<1x16xf32>,
        %get3A_273 = vector.shape_cast %get3A_272 : vector<1x16xf32> to vector<16xf32>
        %get3A_274 = arith.index_cast %mul3A_246 : i32 to index
        %get3A_275 = arith.constant 112 : index
        %get3A_276 = tpu.vector_load %arg7[%get3A_274, %get3A_275] {strides = array<i32>} : memref<64x128xf32, #tpu.memory_space<vmem>>, vector<1x16xf32>,
        %get3A_277 = vector.shape_cast %get3A_276 : vector<1x16xf32> to vector<16xf32>
        %add3A_278 = arith.addf %get3A_249, %get3A_253 : vector<16xf32>
        %add3A_279 = arith.addf %get3A_257, %get3A_261 : vector<16xf32>
        %add3A_280 = arith.addf %add3A_278, %add3A_279 : vector<16xf32>
        %add3A_281 = arith.addf %get3A_265, %get3A_269 : vector<16xf32>
        %add3A_282 = arith.addf %get3A_273, %get3A_277 : vector<16xf32>
        %add3A_283 = arith.addf %add3A_281, %add3A_282 : vector<16xf32>
        %add3A_284 = arith.addf %add3A_280, %add3A_283 : vector<16xf32>
        %mul3A_285 = arith.constant 16 : i32
        %mul3A_286 = arith.muli %mul3A_246, %mul3A_285 : i32
        %swap3A = arith.index_cast %add3A_222 : i32 to index
        %swap3A_287 = arith.index_cast %mul3A_286 : i32 to index
        %swap3A_288 = tpu.vector_load %arg8[%swap3A, %swap3A_287] {strides = array<i32>} : memref<8x1024xf32, #tpu.memory_space<vmem>>, vector<1x16xf32>,
        %swap3A_289 = vector.shape_cast %swap3A_288 : vector<1x16xf32> to vector<16xf32>
        %swap3A_290 = vector.shape_cast %add3A_284 : vector<16xf32> to vector<1x16xf32>
        tpu.vector_store %arg8[%swap3A, %swap3A_287], %swap3A_290 {strides = array<i32>} : memref<8x1024xf32, #tpu.memory_space<vmem>>, vector<1x16xf32>,
        %add3A_291 = arith.constant 1 : i32
        %add3A_292 = arith.addi %mul3A_246, %add3A_291 : i32
        %get3A_293 = arith.index_cast %add3A_292 : i32 to index
        %get3A_294 = arith.constant 0 : index
        %get3A_295 = tpu.vector_load %arg7[%get3A_293, %get3A_294] {strides = array<i32>} : memref<64x128xf32, #tpu.memory_space<vmem>>, vector<1x16xf32>,
        %get3A_296 = vector.shape_cast %get3A_295 : vector<1x16xf32> to vector<16xf32>
        %get3A_297 = arith.index_cast %add3A_292 : i32 to index
        %get3A_298 = arith.constant 16 : index
        %get3A_299 = tpu.vector_load %arg7[%get3A_297, %get3A_298] {strides = array<i32>} : memref<64x128xf32, #tpu.memory_space<vmem>>, vector<1x16xf32>,
        %get3A_300 = vector.shape_cast %get3A_299 : vector<1x16xf32> to vector<16xf32>
        %get3A_301 = arith.index_cast %add3A_292 : i32 to index
        %get3A_302 = arith.constant 32 : index
        %get3A_303 = tpu.vector_load %arg7[%get3A_301, %get3A_302] {strides = array<i32>} : memref<64x128xf32, #tpu.memory_space<vmem>>, vector<1x16xf32>,
        %get3A_304 = vector.shape_cast %get3A_303 : vector<1x16xf32> to vector<16xf32>
        %get3A_305 = arith.index_cast %add3A_292 : i32 to index
        %get3A_306 = arith.constant 48 : index
        %get3A_307 = tpu.vector_load %arg7[%get3A_305, %get3A_306] {strides = array<i32>} : memref<64x128xf32, #tpu.memory_space<vmem>>, vector<1x16xf32>,
        %get3A_308 = vector.shape_cast %get3A_307 : vector<1x16xf32> to vector<16xf32>
        %get3A_309 = arith.index_cast %add3A_292 : i32 to index
        %get3A_310 = arith.constant 64 : index
        %get3A_311 = tpu.vector_load %arg7[%get3A_309, %get3A_310] {strides = array<i32>} : memref<64x128xf32, #tpu.memory_space<vmem>>, vector<1x16xf32>,
        %get3A_312 = vector.shape_cast %get3A_311 : vector<1x16xf32> to vector<16xf32>
        %get3A_313 = arith.index_cast %add3A_292 : i32 to index
        %get3A_314 = arith.constant 80 : index
        %get3A_315 = tpu.vector_load %arg7[%get3A_313, %get3A_314] {strides = array<i32>} : memref<64x128xf32, #tpu.memory_space<vmem>>, vector<1x16xf32>,
        %get3A_316 = vector.shape_cast %get3A_315 : vector<1x16xf32> to vector<16xf32>
        %get3A_317 = arith.index_cast %add3A_292 : i32 to index
        %get3A_318 = arith.constant 96 : index
        %get3A_319 = tpu.vector_load %arg7[%get3A_317, %get3A_318] {strides = array<i32>} : memref<64x128xf32, #tpu.memory_space<vmem>>, vector<1x16xf32>,
        %get3A_320 = vector.shape_cast %get3A_319 : vector<1x16xf32> to vector<16xf32>
        %get3A_321 = arith.index_cast %add3A_292 : i32 to index
        %get3A_322 = arith.constant 112 : index
        %get3A_323 = tpu.vector_load %arg7[%get3A_321, %get3A_322] {strides = array<i32>} : memref<64x128xf32, #tpu.memory_space<vmem>>, vector<1x16xf32>,
        %get3A_324 = vector.shape_cast %get3A_323 : vector<1x16xf32> to vector<16xf32>
        %add3A_325 = arith.addf %get3A_296, %get3A_300 : vector<16xf32>
        %add3A_326 = arith.addf %get3A_304, %get3A_308 : vector<16xf32>
        %add3A_327 = arith.addf %add3A_325, %add3A_326 : vector<16xf32>
        %add3A_328 = arith.addf %get3A_312, %get3A_316 : vector<16xf32>
        %add3A_329 = arith.addf %get3A_320, %get3A_324 : vector<16xf32>
        %add3A_330 = arith.addf %add3A_328, %add3A_329 : vector<16xf32>
        %add3A_331 = arith.addf %add3A_327, %add3A_330 : vector<16xf32>
        %add3A_332 = arith.constant 1 : i32
        %add3A_333 = arith.addi %mul3A_246, %add3A_332 : i32
        %mul3A_334 = arith.constant 16 : i32
        %mul3A_335 = arith.muli %add3A_333, %mul3A_334 : i32
        %swap3A_336 = arith.index_cast %add3A_222 : i32 to index
        %swap3A_337 = arith.index_cast %mul3A_335 : i32 to index
        %swap3A_338 = tpu.vector_load %arg8[%swap3A_336, %swap3A_337] {strides = array<i32>} : memref<8x1024xf32, #tpu.memory_space<vmem>>, vector<1x16xf32>,
        %swap3A_339 = vector.shape_cast %swap3A_338 : vector<1x16xf32> to vector<16xf32>
        %swap3A_340 = vector.shape_cast %add3A_331 : vector<16xf32> to vector<1x16xf32>
        tpu.vector_store %arg8[%swap3A_336, %swap3A_337], %swap3A_340 {strides = array<i32>} : memref<8x1024xf32, #tpu.memory_space<vmem>>, vector<1x16xf32>,
      }
      %scan3A_228 = arith.constant 32 : i32
      %add3A_229 = arith.constant 2 : i32
      %add3A_230 = arith.addi %add3A_206, %add3A_229 : i32
      %min3A_231 = arith.constant 15 : i32
      %min3A_232 = arith.minsi %add3A_230, %min3A_231 : i32
      %add3A_233 = arith.constant 24 : i32
      %add3A_234 = arith.addi %add3A_233, %select_n3A : i32
      %add3A_235 = arith.addi %mul3A_32, %min3A_232 : i32
      %mul3A_236 = arith.constant 128 : i32
      %mul3A_237 = arith.muli %add3A_235, %mul3A_236 : i32
      %dma_start3A_238 = arith.constant 0 : i32
      %dma_start3A_239 = tpu.memref_slice %arg2[%add3A_234, %dma_start3A_238, %mul3A_237] : memref<32x64x8192xf32, #tpu.memory_space<hbm>> -> memref<1x64x128xf32, #tpu.memory_space<hbm>>
      %dma_start3A_240 = tpu.memref_squeeze %dma_start3A_239 : memref<1x64x128xf32, #tpu.memory_space<hbm>> -> memref<64x128xf32, #tpu.memory_space<hbm>>
      %dma_start3A_241 = arith.constant 0 : i32
      %dma_start3A_242 = tpu.memref_slice %arg2[%add3A_234, %dma_start3A_241, %mul3A_237] : memref<32x64x8192xf32, #tpu.memory_space<hbm>> -> memref<1x64x128xf32, #tpu.memory_space<hbm>>
      %dma_start3A_243 = tpu.memref_squeeze %dma_start3A_242 : memref<1x64x128xf32, #tpu.memory_space<hbm>> -> memref<64x128xf32, #tpu.memory_space<hbm>>
      tpu.enqueue_dma source(%dma_start3A_243 : memref<64x128xf32, #tpu.memory_space<hbm>>) target(%arg7 : memref<64x128xf32, #tpu.memory_space<vmem>>) target_semaphore(%arg10 : memref<!tpu.dma_semaphore, #tpu.memory_space<semaphore_mem>>)
    }
    %scan3A_68 = arith.constant 4 : i32
    %add3A_69 = arith.constant 8 : i32
    %add3A_70 = arith.addi %mul3A_32, %add3A_69 : i32
    "tpu.region"() ({
      %run_scoped3A = tpu.sem_alloc : memref<!tpu.dma_semaphore, #tpu.memory_space<semaphore_mem>>
      %dma_start3A_158 = arith.constant 0 : i32
      %dma_start3A_159 = tpu.memref_slice %arg4[%select_n3A, %add3A_70, %dma_start3A_158] : memref<8x64x1024xf32, #tpu.memory_space<hbm>> -> memref<1x8x1024xf32, #tpu.memory_space<hbm>>
      %dma_start3A_160 = tpu.memref_squeeze %dma_start3A_159 : memref<1x8x1024xf32, #tpu.memory_space<hbm>> -> memref<8x1024xf32, #tpu.memory_space<hbm>>
      %dma_start3A_161 = arith.constant 0 : i32
      %dma_start3A_162 = tpu.memref_slice %arg4[%select_n3A, %add3A_70, %dma_start3A_161] : memref<8x64x1024xf32, #tpu.memory_space<hbm>> -> memref<1x8x1024xf32, #tpu.memory_space<hbm>>
      %dma_start3A_163 = tpu.memref_squeeze %dma_start3A_162 : memref<1x8x1024xf32, #tpu.memory_space<hbm>> -> memref<8x1024xf32, #tpu.memory_space<hbm>>
      tpu.enqueue_dma source(%arg8 : memref<8x1024xf32, #tpu.memory_space<vmem>>) target(%dma_start3A_163 : memref<8x1024xf32, #tpu.memory_space<hbm>>) target_semaphore(%run_scoped3A : memref<!tpu.dma_semaphore, #tpu.memory_space<semaphore_mem>>)
      %dma_wait3A_164 = arith.constant 0 : i32
      %dma_wait3A_165 = tpu.memref_slice %arg4[%select_n3A, %add3A_70, %dma_wait3A_164] : memref<8x64x1024xf32, #tpu.memory_space<hbm>> -> memref<1x8x1024xf32, #tpu.memory_space<hbm>>
      %dma_wait3A_166 = tpu.memref_squeeze %dma_wait3A_165 : memref<1x8x1024xf32, #tpu.memory_space<hbm>> -> memref<8x1024xf32, #tpu.memory_space<hbm>>
      %dma_wait3A_167 = arith.constant 0 : i32
      %dma_wait3A_168 = tpu.memref_slice %arg4[%select_n3A, %add3A_70, %dma_wait3A_167] : memref<8x64x1024xf32, #tpu.memory_space<hbm>> -> memref<1x8x1024xf32, #tpu.memory_space<hbm>>
      %dma_wait3A_169 = tpu.memref_squeeze %dma_wait3A_168 : memref<1x8x1024xf32, #tpu.memory_space<hbm>> -> memref<8x1024xf32, #tpu.memory_space<hbm>>
      tpu.wait_dma2 semaphore(%run_scoped3A : memref<!tpu.dma_semaphore, #tpu.memory_space<semaphore_mem>>) src(%arg8 : memref<8x1024xf32, #tpu.memory_space<vmem>>) dst(%dma_wait3A_169 : memref<8x1024xf32, #tpu.memory_space<hbm>>)
      tpu.yield
    }) : () -> ()
    %add3A_71 = arith.constant 24 : i32
    %add3A_72 = arith.addi %add3A_71, %select_n3A : i32
    %add3A_73 = arith.constant 0 : i32
    %add3A_74 = arith.addi %mul3A_32, %add3A_73 : i32
    %mul3A_75 = arith.constant 128 : i32
    %mul3A_76 = arith.muli %add3A_74, %mul3A_75 : i32
    %dma_wait3A = arith.constant 0 : i32
    %dma_wait3A_77 = tpu.memref_slice %arg2[%add3A_72, %dma_wait3A, %mul3A_76] : memref<32x64x8192xf32, #tpu.memory_space<hbm>> -> memref<1x64x128xf32, #tpu.memory_space<hbm>>
    %dma_wait3A_78 = tpu.memref_squeeze %dma_wait3A_77 : memref<1x64x128xf32, #tpu.memory_space<hbm>> -> memref<64x128xf32, #tpu.memory_space<hbm>>
    %dma_wait3A_79 = arith.constant 0 : i32
    %dma_wait3A_80 = tpu.memref_slice %arg2[%add3A_72, %dma_wait3A_79, %mul3A_76] : memref<32x64x8192xf32, #tpu.memory_space<hbm>> -> memref<1x64x128xf32, #tpu.memory_space<hbm>>
    %dma_wait3A_81 = tpu.memref_squeeze %dma_wait3A_80 : memref<1x64x128xf32, #tpu.memory_space<hbm>> -> memref<64x128xf32, #tpu.memory_space<hbm>>
    tpu.wait_dma2 semaphore(%arg9 : memref<!tpu.dma_semaphore, #tpu.memory_space<semaphore_mem>>) src(%dma_wait3A_81 : memref<64x128xf32, #tpu.memory_space<hbm>>) dst(%arg6 : memref<64x128xf32, #tpu.memory_space<vmem>>)
    %add3A_82 = arith.constant 24 : i32
    %add3A_83 = arith.addi %add3A_82, %select_n3A : i32
    %add3A_84 = arith.constant 0 : i32
    %add3A_85 = arith.addi %mul3A_32, %add3A_84 : i32
    %mul3A_86 = arith.constant 128 : i32
    %mul3A_87 = arith.muli %add3A_85, %mul3A_86 : i32
    %dma_wait3A_88 = arith.constant 0 : i32
    %dma_wait3A_89 = tpu.memref_slice %arg2[%add3A_83, %dma_wait3A_88, %mul3A_87] : memref<32x64x8192xf32, #tpu.memory_space<hbm>> -> memref<1x64x128xf32, #tpu.memory_space<hbm>>
    %dma_wait3A_90 = tpu.memref_squeeze %dma_wait3A_89 : memref<1x64x128xf32, #tpu.memory_space<hbm>> -> memref<64x128xf32, #tpu.memory_space<hbm>>
    %dma_wait3A_91 = arith.constant 0 : i32
    %dma_wait3A_92 = tpu.memref_slice %arg2[%add3A_83, %dma_wait3A_91, %mul3A_87] : memref<32x64x8192xf32, #tpu.memory_space<hbm>> -> memref<1x64x128xf32, #tpu.memory_space<hbm>>
    %dma_wait3A_93 = tpu.memref_squeeze %dma_wait3A_92 : memref<1x64x128xf32, #tpu.memory_space<hbm>> -> memref<64x128xf32, #tpu.memory_space<hbm>>
    tpu.wait_dma2 semaphore(%arg10 : memref<!tpu.dma_semaphore, #tpu.memory_space<semaphore_mem>>) src(%dma_wait3A_93 : memref<64x128xf32, #tpu.memory_space<hbm>>) dst(%arg7 : memref<64x128xf32, #tpu.memory_space<vmem>>)
    %add3A_94 = arith.constant 24 : i32
    %add3A_95 = arith.addi %add3A_94, %select_n3A : i32
    %add3A_96 = arith.constant 0 : i32
    %add3A_97 = arith.addi %mul3A_32, %add3A_96 : i32
    %mul3A_98 = arith.constant 128 : i32
    %mul3A_99 = arith.muli %add3A_97, %mul3A_98 : i32
    %dma_start3A_100 = arith.constant 0 : i32
    %dma_start3A_101 = tpu.memref_slice %arg3[%add3A_95, %dma_start3A_100, %mul3A_99] : memref<32x64x8192xf32, #tpu.memory_space<hbm>> -> memref<1x64x128xf32, #tpu.memory_space<hbm>>
    %dma_start3A_102 = tpu.memref_squeeze %dma_start3A_101 : memref<1x64x128xf32, #tpu.memory_space<hbm>> -> memref<64x128xf32, #tpu.memory_space<hbm>>
    %dma_start3A_103 = arith.constant 0 : i32
    %dma_start3A_104 = tpu.memref_slice %arg3[%add3A_95, %dma_start3A_103, %mul3A_99] : memref<32x64x8192xf32, #tpu.memory_space<hbm>> -> memref<1x64x128xf32, #tpu.memory_space<hbm>>
    %dma_start3A_105 = tpu.memref_squeeze %dma_start3A_104 : memref<1x64x128xf32, #tpu.memory_space<hbm>> -> memref<64x128xf32, #tpu.memory_space<hbm>>
    tpu.enqueue_dma source(%dma_start3A_105 : memref<64x128xf32, #tpu.memory_space<hbm>>) target(%arg6 : memref<64x128xf32, #tpu.memory_space<vmem>>) target_semaphore(%arg9 : memref<!tpu.dma_semaphore, #tpu.memory_space<semaphore_mem>>)
    %add3A_106 = arith.constant 24 : i32
    %add3A_107 = arith.addi %add3A_106, %select_n3A : i32
    %add3A_108 = arith.constant 1 : i32
    %add3A_109 = arith.addi %mul3A_32, %add3A_108 : i32
    %mul3A_110 = arith.constant 128 : i32
    %mul3A_111 = arith.muli %add3A_109, %mul3A_110 : i32
    %dma_start3A_112 = arith.constant 0 : i32
    %dma_start3A_113 = tpu.memref_slice %arg3[%add3A_107, %dma_start3A_112, %mul3A_111] : memref<32x64x8192xf32, #tpu.memory_space<hbm>> -> memref<1x64x128xf32, #tpu.memory_space<hbm>>
    %dma_start3A_114 = tpu.memref_squeeze %dma_start3A_113 : memref<1x64x128xf32, #tpu.memory_space<hbm>> -> memref<64x128xf32, #tpu.memory_space<hbm>>
    %dma_start3A_115 = arith.constant 0 : i32
    %dma_start3A_116 = tpu.memref_slice %arg3[%add3A_107, %dma_start3A_115, %mul3A_111] : memref<32x64x8192xf32, #tpu.memory_space<hbm>> -> memref<1x64x128xf32, #tpu.memory_space<hbm>>
    %dma_start3A_117 = tpu.memref_squeeze %dma_start3A_116 : memref<1x64x128xf32, #tpu.memory_space<hbm>> -> memref<64x128xf32, #tpu.memory_space<hbm>>
    tpu.enqueue_dma source(%dma_start3A_117 : memref<64x128xf32, #tpu.memory_space<hbm>>) target(%arg7 : memref<64x128xf32, #tpu.memory_space<vmem>>) target_semaphore(%arg10 : memref<!tpu.dma_semaphore, #tpu.memory_space<semaphore_mem>>)
    %scan3A_118 = arith.constant 0 : i32
    %scan3A_119 = arith.constant 0 : i32
    %scan3A_120 = arith.constant 4 : i32
    %scan3A_121 = arith.addi %scan3A_119, %scan3A_120 : i32
    %scan3A_122 = arith.constant 1 : i32
    scf.for %scan3A_158 = %scan3A_119 to %scan3A_121 step %scan3A_122  : i32 {
      %mul3A_159 = arith.constant 2 : i32
      %mul3A_160 = arith.muli %mul3A_159, %scan3A_158 : i32
      %add3A_161 = arith.constant 0 : i32
      %add3A_162 = arith.addi %add3A_161, %mul3A_160 : i32
      %add3A_163 = arith.constant 0 : i32
      %add3A_164 = arith.addi %add3A_162, %add3A_163 : i32
      %add3A_165 = arith.constant 24 : i32
      %add3A_166 = arith.addi %add3A_165, %select_n3A : i32
      %add3A_167 = arith.constant 0 : i32
      %add3A_168 = arith.addi %mul3A_32, %add3A_167 : i32
      %mul3A_169 = arith.constant 128 : i32
      %mul3A_170 = arith.muli %add3A_168, %mul3A_169 : i32
      %dma_wait3A_171 = arith.constant 0 : i32
      %dma_wait3A_172 = tpu.memref_slice %arg3[%add3A_166, %dma_wait3A_171, %mul3A_170] : memref<32x64x8192xf32, #tpu.memory_space<hbm>> -> memref<1x64x128xf32, #tpu.memory_space<hbm>>
      %dma_wait3A_173 = tpu.memref_squeeze %dma_wait3A_172 : memref<1x64x128xf32, #tpu.memory_space<hbm>> -> memref<64x128xf32, #tpu.memory_space<hbm>>
      %dma_wait3A_174 = arith.constant 0 : i32
      %dma_wait3A_175 = tpu.memref_slice %arg3[%add3A_166, %dma_wait3A_174, %mul3A_170] : memref<32x64x8192xf32, #tpu.memory_space<hbm>> -> memref<1x64x128xf32, #tpu.memory_space<hbm>>
      %dma_wait3A_176 = tpu.memref_squeeze %dma_wait3A_175 : memref<1x64x128xf32, #tpu.memory_space<hbm>> -> memref<64x128xf32, #tpu.memory_space<hbm>>
      tpu.wait_dma2 semaphore(%arg9 : memref<!tpu.dma_semaphore, #tpu.memory_space<semaphore_mem>>) src(%dma_wait3A_176 : memref<64x128xf32, #tpu.memory_space<hbm>>) dst(%arg6 : memref<64x128xf32, #tpu.memory_space<vmem>>)
      %mul3A_177 = arith.constant 2 : i32
      %mul3A_178 = arith.muli %mul3A_177, %scan3A_158 : i32
      %add3A_179 = arith.constant 0 : i32
      %add3A_180 = arith.addi %mul3A_178, %add3A_179 : i32
      %scan3A_181 = arith.constant 0 : i32
      %scan3A_182 = arith.constant 0 : i32
      %scan3A_183 = arith.constant 32 : i32
      %scan3A_184 = arith.addi %scan3A_182, %scan3A_183 : i32
      %scan3A_185 = arith.constant 1 : i32
      scf.for %scan3A_244 = %scan3A_182 to %scan3A_184 step %scan3A_185  : i32 {
        %mul3A_245 = arith.constant 2 : i32
        %mul3A_246 = arith.muli %mul3A_245, %scan3A_244 : i32
        %get3A = arith.index_cast %mul3A_246 : i32 to index
        %get3A_247 = arith.constant 0 : index
        %get3A_248 = tpu.vector_load %arg6[%get3A, %get3A_247] {strides = array<i32>} : memref<64x128xf32, #tpu.memory_space<vmem>>, vector<1x16xf32>,
        %get3A_249 = vector.shape_cast %get3A_248 : vector<1x16xf32> to vector<16xf32>
        %get3A_250 = arith.index_cast %mul3A_246 : i32 to index
        %get3A_251 = arith.constant 16 : index
        %get3A_252 = tpu.vector_load %arg6[%get3A_250, %get3A_251] {strides = array<i32>} : memref<64x128xf32, #tpu.memory_space<vmem>>, vector<1x16xf32>,
        %get3A_253 = vector.shape_cast %get3A_252 : vector<1x16xf32> to vector<16xf32>
        %get3A_254 = arith.index_cast %mul3A_246 : i32 to index
        %get3A_255 = arith.constant 32 : index
        %get3A_256 = tpu.vector_load %arg6[%get3A_254, %get3A_255] {strides = array<i32>} : memref<64x128xf32, #tpu.memory_space<vmem>>, vector<1x16xf32>,
        %get3A_257 = vector.shape_cast %get3A_256 : vector<1x16xf32> to vector<16xf32>
        %get3A_258 = arith.index_cast %mul3A_246 : i32 to index
        %get3A_259 = arith.constant 48 : index
        %get3A_260 = tpu.vector_load %arg6[%get3A_258, %get3A_259] {strides = array<i32>} : memref<64x128xf32, #tpu.memory_space<vmem>>, vector<1x16xf32>,
        %get3A_261 = vector.shape_cast %get3A_260 : vector<1x16xf32> to vector<16xf32>
        %get3A_262 = arith.index_cast %mul3A_246 : i32 to index
        %get3A_263 = arith.constant 64 : index
        %get3A_264 = tpu.vector_load %arg6[%get3A_262, %get3A_263] {strides = array<i32>} : memref<64x128xf32, #tpu.memory_space<vmem>>, vector<1x16xf32>,
        %get3A_265 = vector.shape_cast %get3A_264 : vector<1x16xf32> to vector<16xf32>
        %get3A_266 = arith.index_cast %mul3A_246 : i32 to index
        %get3A_267 = arith.constant 80 : index
        %get3A_268 = tpu.vector_load %arg6[%get3A_266, %get3A_267] {strides = array<i32>} : memref<64x128xf32, #tpu.memory_space<vmem>>, vector<1x16xf32>,
        %get3A_269 = vector.shape_cast %get3A_268 : vector<1x16xf32> to vector<16xf32>
        %get3A_270 = arith.index_cast %mul3A_246 : i32 to index
        %get3A_271 = arith.constant 96 : index
        %get3A_272 = tpu.vector_load %arg6[%get3A_270, %get3A_271] {strides = array<i32>} : memref<64x128xf32, #tpu.memory_space<vmem>>, vector<1x16xf32>,
        %get3A_273 = vector.shape_cast %get3A_272 : vector<1x16xf32> to vector<16xf32>
        %get3A_274 = arith.index_cast %mul3A_246 : i32 to index
        %get3A_275 = arith.constant 112 : index
        %get3A_276 = tpu.vector_load %arg6[%get3A_274, %get3A_275] {strides = array<i32>} : memref<64x128xf32, #tpu.memory_space<vmem>>, vector<1x16xf32>,
        %get3A_277 = vector.shape_cast %get3A_276 : vector<1x16xf32> to vector<16xf32>
        %add3A_278 = arith.addf %get3A_249, %get3A_253 : vector<16xf32>
        %add3A_279 = arith.addf %get3A_257, %get3A_261 : vector<16xf32>
        %add3A_280 = arith.addf %add3A_278, %add3A_279 : vector<16xf32>
        %add3A_281 = arith.addf %get3A_265, %get3A_269 : vector<16xf32>
        %add3A_282 = arith.addf %get3A_273, %get3A_277 : vector<16xf32>
        %add3A_283 = arith.addf %add3A_281, %add3A_282 : vector<16xf32>
        %add3A_284 = arith.addf %add3A_280, %add3A_283 : vector<16xf32>
        %mul3A_285 = arith.constant 16 : i32
        %mul3A_286 = arith.muli %mul3A_246, %mul3A_285 : i32
        %swap3A = arith.index_cast %add3A_180 : i32 to index
        %swap3A_287 = arith.index_cast %mul3A_286 : i32 to index
        %swap3A_288 = tpu.vector_load %arg8[%swap3A, %swap3A_287] {strides = array<i32>} : memref<8x1024xf32, #tpu.memory_space<vmem>>, vector<1x16xf32>,
        %swap3A_289 = vector.shape_cast %swap3A_288 : vector<1x16xf32> to vector<16xf32>
        %swap3A_290 = vector.shape_cast %add3A_284 : vector<16xf32> to vector<1x16xf32>
        tpu.vector_store %arg8[%swap3A, %swap3A_287], %swap3A_290 {strides = array<i32>} : memref<8x1024xf32, #tpu.memory_space<vmem>>, vector<1x16xf32>,
        %add3A_291 = arith.constant 1 : i32
        %add3A_292 = arith.addi %mul3A_246, %add3A_291 : i32
        %get3A_293 = arith.index_cast %add3A_292 : i32 to index
        %get3A_294 = arith.constant 0 : index
        %get3A_295 = tpu.vector_load %arg6[%get3A_293, %get3A_294] {strides = array<i32>} : memref<64x128xf32, #tpu.memory_space<vmem>>, vector<1x16xf32>,
        %get3A_296 = vector.shape_cast %get3A_295 : vector<1x16xf32> to vector<16xf32>
        %get3A_297 = arith.index_cast %add3A_292 : i32 to index
        %get3A_298 = arith.constant 16 : index
        %get3A_299 = tpu.vector_load %arg6[%get3A_297, %get3A_298] {strides = array<i32>} : memref<64x128xf32, #tpu.memory_space<vmem>>, vector<1x16xf32>,
        %get3A_300 = vector.shape_cast %get3A_299 : vector<1x16xf32> to vector<16xf32>
        %get3A_301 = arith.index_cast %add3A_292 : i32 to index
        %get3A_302 = arith.constant 32 : index
        %get3A_303 = tpu.vector_load %arg6[%get3A_301, %get3A_302] {strides = array<i32>} : memref<64x128xf32, #tpu.memory_space<vmem>>, vector<1x16xf32>,
        %get3A_304 = vector.shape_cast %get3A_303 : vector<1x16xf32> to vector<16xf32>
        %get3A_305 = arith.index_cast %add3A_292 : i32 to index
        %get3A_306 = arith.constant 48 : index
        %get3A_307 = tpu.vector_load %arg6[%get3A_305, %get3A_306] {strides = array<i32>} : memref<64x128xf32, #tpu.memory_space<vmem>>, vector<1x16xf32>,
        %get3A_308 = vector.shape_cast %get3A_307 : vector<1x16xf32> to vector<16xf32>
        %get3A_309 = arith.index_cast %add3A_292 : i32 to index
        %get3A_310 = arith.constant 64 : index
        %get3A_311 = tpu.vector_load %arg6[%get3A_309, %get3A_310] {strides = array<i32>} : memref<64x128xf32, #tpu.memory_space<vmem>>, vector<1x16xf32>,
        %get3A_312 = vector.shape_cast %get3A_311 : vector<1x16xf32> to vector<16xf32>
        %get3A_313 = arith.index_cast %add3A_292 : i32 to index
        %get3A_314 = arith.constant 80 : index
        %get3A_315 = tpu.vector_load %arg6[%get3A_313, %get3A_314] {strides = array<i32>} : memref<64x128xf32, #tpu.memory_space<vmem>>, vector<1x16xf32>,
        %get3A_316 = vector.shape_cast %get3A_315 : vector<1x16xf32> to vector<16xf32>
        %get3A_317 = arith.index_cast %add3A_292 : i32 to index
        %get3A_318 = arith.constant 96 : index
        %get3A_319 = tpu.vector_load %arg6[%get3A_317, %get3A_318] {strides = array<i32>} : memref<64x128xf32, #tpu.memory_space<vmem>>, vector<1x16xf32>,
        %get3A_320 = vector.shape_cast %get3A_319 : vector<1x16xf32> to vector<16xf32>
        %get3A_321 = arith.index_cast %add3A_292 : i32 to index
        %get3A_322 = arith.constant 112 : index
        %get3A_323 = tpu.vector_load %arg6[%get3A_321, %get3A_322] {strides = array<i32>} : memref<64x128xf32, #tpu.memory_space<vmem>>, vector<1x16xf32>,
        %get3A_324 = vector.shape_cast %get3A_323 : vector<1x16xf32> to vector<16xf32>
        %add3A_325 = arith.addf %get3A_296, %get3A_300 : vector<16xf32>
        %add3A_326 = arith.addf %get3A_304, %get3A_308 : vector<16xf32>
        %add3A_327 = arith.addf %add3A_325, %add3A_326 : vector<16xf32>
        %add3A_328 = arith.addf %get3A_312, %get3A_316 : vector<16xf32>
        %add3A_329 = arith.addf %get3A_320, %get3A_324 : vector<16xf32>
        %add3A_330 = arith.addf %add3A_328, %add3A_329 : vector<16xf32>
        %add3A_331 = arith.addf %add3A_327, %add3A_330 : vector<16xf32>
        %add3A_332 = arith.constant 1 : i32
        %add3A_333 = arith.addi %mul3A_246, %add3A_332 : i32
        %mul3A_334 = arith.constant 16 : i32
        %mul3A_335 = arith.muli %add3A_333, %mul3A_334 : i32
        %swap3A_336 = arith.index_cast %add3A_180 : i32 to index
        %swap3A_337 = arith.index_cast %mul3A_335 : i32 to index
        %swap3A_338 = tpu.vector_load %arg8[%swap3A_336, %swap3A_337] {strides = array<i32>} : memref<8x1024xf32, #tpu.memory_space<vmem>>, vector<1x16xf32>,
        %swap3A_339 = vector.shape_cast %swap3A_338 : vector<1x16xf32> to vector<16xf32>
        %swap3A_340 = vector.shape_cast %add3A_331 : vector<16xf32> to vector<1x16xf32>
        tpu.vector_store %arg8[%swap3A_336, %swap3A_337], %swap3A_340 {strides = array<i32>} : memref<8x1024xf32, #tpu.memory_space<vmem>>, vector<1x16xf32>,
      }
      %scan3A_186 = arith.constant 32 : i32
      %add3A_187 = arith.constant 2 : i32
      %add3A_188 = arith.addi %add3A_164, %add3A_187 : i32
      %min3A = arith.constant 15 : i32
      %min3A_189 = arith.minsi %add3A_188, %min3A : i32
      %add3A_190 = arith.constant 24 : i32
      %add3A_191 = arith.addi %add3A_190, %select_n3A : i32
      %add3A_192 = arith.addi %mul3A_32, %min3A_189 : i32
      %mul3A_193 = arith.constant 128 : i32
      %mul3A_194 = arith.muli %add3A_192, %mul3A_193 : i32
      %dma_start3A_195 = arith.constant 0 : i32
      %dma_start3A_196 = tpu.memref_slice %arg3[%add3A_191, %dma_start3A_195, %mul3A_194] : memref<32x64x8192xf32, #tpu.memory_space<hbm>> -> memref<1x64x128xf32, #tpu.memory_space<hbm>>
      %dma_start3A_197 = tpu.memref_squeeze %dma_start3A_196 : memref<1x64x128xf32, #tpu.memory_space<hbm>> -> memref<64x128xf32, #tpu.memory_space<hbm>>
      %dma_start3A_198 = arith.constant 0 : i32
      %dma_start3A_199 = tpu.memref_slice %arg3[%add3A_191, %dma_start3A_198, %mul3A_194] : memref<32x64x8192xf32, #tpu.memory_space<hbm>> -> memref<1x64x128xf32, #tpu.memory_space<hbm>>
      %dma_start3A_200 = tpu.memref_squeeze %dma_start3A_199 : memref<1x64x128xf32, #tpu.memory_space<hbm>> -> memref<64x128xf32, #tpu.memory_space<hbm>>
      tpu.enqueue_dma source(%dma_start3A_200 : memref<64x128xf32, #tpu.memory_space<hbm>>) target(%arg6 : memref<64x128xf32, #tpu.memory_space<vmem>>) target_semaphore(%arg9 : memref<!tpu.dma_semaphore, #tpu.memory_space<semaphore_mem>>)
      %mul3A_201 = arith.constant 2 : i32
      %mul3A_202 = arith.muli %mul3A_201, %scan3A_158 : i32
      %add3A_203 = arith.constant 0 : i32
      %add3A_204 = arith.addi %add3A_203, %mul3A_202 : i32
      %add3A_205 = arith.constant 1 : i32
      %add3A_206 = arith.addi %add3A_204, %add3A_205 : i32
      %add3A_207 = arith.constant 24 : i32
      %add3A_208 = arith.addi %add3A_207, %select_n3A : i32
      %add3A_209 = arith.constant 0 : i32
      %add3A_210 = arith.addi %mul3A_32, %add3A_209 : i32
      %mul3A_211 = arith.constant 128 : i32
      %mul3A_212 = arith.muli %add3A_210, %mul3A_211 : i32
      %dma_wait3A_213 = arith.constant 0 : i32
      %dma_wait3A_214 = tpu.memref_slice %arg3[%add3A_208, %dma_wait3A_213, %mul3A_212] : memref<32x64x8192xf32, #tpu.memory_space<hbm>> -> memref<1x64x128xf32, #tpu.memory_space<hbm>>
      %dma_wait3A_215 = tpu.memref_squeeze %dma_wait3A_214 : memref<1x64x128xf32, #tpu.memory_space<hbm>> -> memref<64x128xf32, #tpu.memory_space<hbm>>
      %dma_wait3A_216 = arith.constant 0 : i32
      %dma_wait3A_217 = tpu.memref_slice %arg3[%add3A_208, %dma_wait3A_216, %mul3A_212] : memref<32x64x8192xf32, #tpu.memory_space<hbm>> -> memref<1x64x128xf32, #tpu.memory_space<hbm>>
      %dma_wait3A_218 = tpu.memref_squeeze %dma_wait3A_217 : memref<1x64x128xf32, #tpu.memory_space<hbm>> -> memref<64x128xf32, #tpu.memory_space<hbm>>
      tpu.wait_dma2 semaphore(%arg10 : memref<!tpu.dma_semaphore, #tpu.memory_space<semaphore_mem>>) src(%dma_wait3A_218 : memref<64x128xf32, #tpu.memory_space<hbm>>) dst(%arg7 : memref<64x128xf32, #tpu.memory_space<vmem>>)
      %mul3A_219 = arith.constant 2 : i32
      %mul3A_220 = arith.muli %mul3A_219, %scan3A_158 : i32
      %add3A_221 = arith.constant 1 : i32
      %add3A_222 = arith.addi %mul3A_220, %add3A_221 : i32
      %scan3A_223 = arith.constant 0 : i32
      %scan3A_224 = arith.constant 0 : i32
      %scan3A_225 = arith.constant 32 : i32
      %scan3A_226 = arith.addi %scan3A_224, %scan3A_225 : i32
      %scan3A_227 = arith.constant 1 : i32
      scf.for %scan3A_244 = %scan3A_224 to %scan3A_226 step %scan3A_227  : i32 {
        %mul3A_245 = arith.constant 2 : i32
        %mul3A_246 = arith.muli %mul3A_245, %scan3A_244 : i32
        %get3A = arith.index_cast %mul3A_246 : i32 to index
        %get3A_247 = arith.constant 0 : index
        %get3A_248 = tpu.vector_load %arg7[%get3A, %get3A_247] {strides = array<i32>} : memref<64x128xf32, #tpu.memory_space<vmem>>, vector<1x16xf32>,
        %get3A_249 = vector.shape_cast %get3A_248 : vector<1x16xf32> to vector<16xf32>
        %get3A_250 = arith.index_cast %mul3A_246 : i32 to index
        %get3A_251 = arith.constant 16 : index
        %get3A_252 = tpu.vector_load %arg7[%get3A_250, %get3A_251] {strides = array<i32>} : memref<64x128xf32, #tpu.memory_space<vmem>>, vector<1x16xf32>,
        %get3A_253 = vector.shape_cast %get3A_252 : vector<1x16xf32> to vector<16xf32>
        %get3A_254 = arith.index_cast %mul3A_246 : i32 to index
        %get3A_255 = arith.constant 32 : index
        %get3A_256 = tpu.vector_load %arg7[%get3A_254, %get3A_255] {strides = array<i32>} : memref<64x128xf32, #tpu.memory_space<vmem>>, vector<1x16xf32>,
        %get3A_257 = vector.shape_cast %get3A_256 : vector<1x16xf32> to vector<16xf32>
        %get3A_258 = arith.index_cast %mul3A_246 : i32 to index
        %get3A_259 = arith.constant 48 : index
        %get3A_260 = tpu.vector_load %arg7[%get3A_258, %get3A_259] {strides = array<i32>} : memref<64x128xf32, #tpu.memory_space<vmem>>, vector<1x16xf32>,
        %get3A_261 = vector.shape_cast %get3A_260 : vector<1x16xf32> to vector<16xf32>
        %get3A_262 = arith.index_cast %mul3A_246 : i32 to index
        %get3A_263 = arith.constant 64 : index
        %get3A_264 = tpu.vector_load %arg7[%get3A_262, %get3A_263] {strides = array<i32>} : memref<64x128xf32, #tpu.memory_space<vmem>>, vector<1x16xf32>,
        %get3A_265 = vector.shape_cast %get3A_264 : vector<1x16xf32> to vector<16xf32>
        %get3A_266 = arith.index_cast %mul3A_246 : i32 to index
        %get3A_267 = arith.constant 80 : index
        %get3A_268 = tpu.vector_load %arg7[%get3A_266, %get3A_267] {strides = array<i32>} : memref<64x128xf32, #tpu.memory_space<vmem>>, vector<1x16xf32>,
        %get3A_269 = vector.shape_cast %get3A_268 : vector<1x16xf32> to vector<16xf32>
        %get3A_270 = arith.index_cast %mul3A_246 : i32 to index
        %get3A_271 = arith.constant 96 : index
        %get3A_272 = tpu.vector_load %arg7[%get3A_270, %get3A_271] {strides = array<i32>} : memref<64x128xf32, #tpu.memory_space<vmem>>, vector<1x16xf32>,
        %get3A_273 = vector.shape_cast %get3A_272 : vector<1x16xf32> to vector<16xf32>
        %get3A_274 = arith.index_cast %mul3A_246 : i32 to index
        %get3A_275 = arith.constant 112 : index
        %get3A_276 = tpu.vector_load %arg7[%get3A_274, %get3A_275] {strides = array<i32>} : memref<64x128xf32, #tpu.memory_space<vmem>>, vector<1x16xf32>,
        %get3A_277 = vector.shape_cast %get3A_276 : vector<1x16xf32> to vector<16xf32>
        %add3A_278 = arith.addf %get3A_249, %get3A_253 : vector<16xf32>
        %add3A_279 = arith.addf %get3A_257, %get3A_261 : vector<16xf32>
        %add3A_280 = arith.addf %add3A_278, %add3A_279 : vector<16xf32>
        %add3A_281 = arith.addf %get3A_265, %get3A_269 : vector<16xf32>
        %add3A_282 = arith.addf %get3A_273, %get3A_277 : vector<16xf32>
        %add3A_283 = arith.addf %add3A_281, %add3A_282 : vector<16xf32>
        %add3A_284 = arith.addf %add3A_280, %add3A_283 : vector<16xf32>
        %mul3A_285 = arith.constant 16 : i32
        %mul3A_286 = arith.muli %mul3A_246, %mul3A_285 : i32
        %swap3A = arith.index_cast %add3A_222 : i32 to index
        %swap3A_287 = arith.index_cast %mul3A_286 : i32 to index
        %swap3A_288 = tpu.vector_load %arg8[%swap3A, %swap3A_287] {strides = array<i32>} : memref<8x1024xf32, #tpu.memory_space<vmem>>, vector<1x16xf32>,
        %swap3A_289 = vector.shape_cast %swap3A_288 : vector<1x16xf32> to vector<16xf32>
        %swap3A_290 = vector.shape_cast %add3A_284 : vector<16xf32> to vector<1x16xf32>
        tpu.vector_store %arg8[%swap3A, %swap3A_287], %swap3A_290 {strides = array<i32>} : memref<8x1024xf32, #tpu.memory_space<vmem>>, vector<1x16xf32>,
        %add3A_291 = arith.constant 1 : i32
        %add3A_292 = arith.addi %mul3A_246, %add3A_291 : i32
        %get3A_293 = arith.index_cast %add3A_292 : i32 to index
        %get3A_294 = arith.constant 0 : index
        %get3A_295 = tpu.vector_load %arg7[%get3A_293, %get3A_294] {strides = array<i32>} : memref<64x128xf32, #tpu.memory_space<vmem>>, vector<1x16xf32>,
        %get3A_296 = vector.shape_cast %get3A_295 : vector<1x16xf32> to vector<16xf32>
        %get3A_297 = arith.index_cast %add3A_292 : i32 to index
        %get3A_298 = arith.constant 16 : index
        %get3A_299 = tpu.vector_load %arg7[%get3A_297, %get3A_298] {strides = array<i32>} : memref<64x128xf32, #tpu.memory_space<vmem>>, vector<1x16xf32>,
        %get3A_300 = vector.shape_cast %get3A_299 : vector<1x16xf32> to vector<16xf32>
        %get3A_301 = arith.index_cast %add3A_292 : i32 to index
        %get3A_302 = arith.constant 32 : index
        %get3A_303 = tpu.vector_load %arg7[%get3A_301, %get3A_302] {strides = array<i32>} : memref<64x128xf32, #tpu.memory_space<vmem>>, vector<1x16xf32>,
        %get3A_304 = vector.shape_cast %get3A_303 : vector<1x16xf32> to vector<16xf32>
        %get3A_305 = arith.index_cast %add3A_292 : i32 to index
        %get3A_306 = arith.constant 48 : index
        %get3A_307 = tpu.vector_load %arg7[%get3A_305, %get3A_306] {strides = array<i32>} : memref<64x128xf32, #tpu.memory_space<vmem>>, vector<1x16xf32>,
        %get3A_308 = vector.shape_cast %get3A_307 : vector<1x16xf32> to vector<16xf32>
        %get3A_309 = arith.index_cast %add3A_292 : i32 to index
        %get3A_310 = arith.constant 64 : index
        %get3A_311 = tpu.vector_load %arg7[%get3A_309, %get3A_310] {strides = array<i32>} : memref<64x128xf32, #tpu.memory_space<vmem>>, vector<1x16xf32>,
        %get3A_312 = vector.shape_cast %get3A_311 : vector<1x16xf32> to vector<16xf32>
        %get3A_313 = arith.index_cast %add3A_292 : i32 to index
        %get3A_314 = arith.constant 80 : index
        %get3A_315 = tpu.vector_load %arg7[%get3A_313, %get3A_314] {strides = array<i32>} : memref<64x128xf32, #tpu.memory_space<vmem>>, vector<1x16xf32>,
        %get3A_316 = vector.shape_cast %get3A_315 : vector<1x16xf32> to vector<16xf32>
        %get3A_317 = arith.index_cast %add3A_292 : i32 to index
        %get3A_318 = arith.constant 96 : index
        %get3A_319 = tpu.vector_load %arg7[%get3A_317, %get3A_318] {strides = array<i32>} : memref<64x128xf32, #tpu.memory_space<vmem>>, vector<1x16xf32>,
        %get3A_320 = vector.shape_cast %get3A_319 : vector<1x16xf32> to vector<16xf32>
        %get3A_321 = arith.index_cast %add3A_292 : i32 to index
        %get3A_322 = arith.constant 112 : index
        %get3A_323 = tpu.vector_load %arg7[%get3A_321, %get3A_322] {strides = array<i32>} : memref<64x128xf32, #tpu.memory_space<vmem>>, vector<1x16xf32>,
        %get3A_324 = vector.shape_cast %get3A_323 : vector<1x16xf32> to vector<16xf32>
        %add3A_325 = arith.addf %get3A_296, %get3A_300 : vector<16xf32>
        %add3A_326 = arith.addf %get3A_304, %get3A_308 : vector<16xf32>
        %add3A_327 = arith.addf %add3A_325, %add3A_326 : vector<16xf32>
        %add3A_328 = arith.addf %get3A_312, %get3A_316 : vector<16xf32>
        %add3A_329 = arith.addf %get3A_320, %get3A_324 : vector<16xf32>
        %add3A_330 = arith.addf %add3A_328, %add3A_329 : vector<16xf32>
        %add3A_331 = arith.addf %add3A_327, %add3A_330 : vector<16xf32>
        %add3A_332 = arith.constant 1 : i32
        %add3A_333 = arith.addi %mul3A_246, %add3A_332 : i32
        %mul3A_334 = arith.constant 16 : i32
        %mul3A_335 = arith.muli %add3A_333, %mul3A_334 : i32
        %swap3A_336 = arith.index_cast %add3A_222 : i32 to index
        %swap3A_337 = arith.index_cast %mul3A_335 : i32 to index
        %swap3A_338 = tpu.vector_load %arg8[%swap3A_336, %swap3A_337] {strides = array<i32>} : memref<8x1024xf32, #tpu.memory_space<vmem>>, vector<1x16xf32>,
        %swap3A_339 = vector.shape_cast %swap3A_338 : vector<1x16xf32> to vector<16xf32>
        %swap3A_340 = vector.shape_cast %add3A_331 : vector<16xf32> to vector<1x16xf32>
        tpu.vector_store %arg8[%swap3A_336, %swap3A_337], %swap3A_340 {strides = array<i32>} : memref<8x1024xf32, #tpu.memory_space<vmem>>, vector<1x16xf32>,
      }
      %scan3A_228 = arith.constant 32 : i32
      %add3A_229 = arith.constant 2 : i32
      %add3A_230 = arith.addi %add3A_206, %add3A_229 : i32
      %min3A_231 = arith.constant 15 : i32
      %min3A_232 = arith.minsi %add3A_230, %min3A_231 : i32
      %add3A_233 = arith.constant 24 : i32
      %add3A_234 = arith.addi %add3A_233, %select_n3A : i32
      %add3A_235 = arith.addi %mul3A_32, %min3A_232 : i32
      %mul3A_236 = arith.constant 128 : i32
      %mul3A_237 = arith.muli %add3A_235, %mul3A_236 : i32
      %dma_start3A_238 = arith.constant 0 : i32
      %dma_start3A_239 = tpu.memref_slice %arg3[%add3A_234, %dma_start3A_238, %mul3A_237] : memref<32x64x8192xf32, #tpu.memory_space<hbm>> -> memref<1x64x128xf32, #tpu.memory_space<hbm>>
      %dma_start3A_240 = tpu.memref_squeeze %dma_start3A_239 : memref<1x64x128xf32, #tpu.memory_space<hbm>> -> memref<64x128xf32, #tpu.memory_space<hbm>>
      %dma_start3A_241 = arith.constant 0 : i32
      %dma_start3A_242 = tpu.memref_slice %arg3[%add3A_234, %dma_start3A_241, %mul3A_237] : memref<32x64x8192xf32, #tpu.memory_space<hbm>> -> memref<1x64x128xf32, #tpu.memory_space<hbm>>
      %dma_start3A_243 = tpu.memref_squeeze %dma_start3A_242 : memref<1x64x128xf32, #tpu.memory_space<hbm>> -> memref<64x128xf32, #tpu.memory_space<hbm>>
      tpu.enqueue_dma source(%dma_start3A_243 : memref<64x128xf32, #tpu.memory_space<hbm>>) target(%arg7 : memref<64x128xf32, #tpu.memory_space<vmem>>) target_semaphore(%arg10 : memref<!tpu.dma_semaphore, #tpu.memory_space<semaphore_mem>>)
    }
    %scan3A_123 = arith.constant 4 : i32
    %add3A_124 = arith.constant 0 : i32
    %add3A_125 = arith.addi %mul3A_32, %add3A_124 : i32
    "tpu.region"() ({
      %run_scoped3A = tpu.sem_alloc : memref<!tpu.dma_semaphore, #tpu.memory_space<semaphore_mem>>
      %dma_start3A_158 = arith.constant 0 : i32
      %dma_start3A_159 = tpu.memref_slice %arg5[%select_n3A, %add3A_125, %dma_start3A_158] : memref<8x64x1024xf32, #tpu.memory_space<hbm>> -> memref<1x8x1024xf32, #tpu.memory_space<hbm>>
      %dma_start3A_160 = tpu.memref_squeeze %dma_start3A_159 : memref<1x8x1024xf32, #tpu.memory_space<hbm>> -> memref<8x1024xf32, #tpu.memory_space<hbm>>
      %dma_start3A_161 = arith.constant 0 : i32
      %dma_start3A_162 = tpu.memref_slice %arg5[%select_n3A, %add3A_125, %dma_start3A_161] : memref<8x64x1024xf32, #tpu.memory_space<hbm>> -> memref<1x8x1024xf32, #tpu.memory_space<hbm>>
      %dma_start3A_163 = tpu.memref_squeeze %dma_start3A_162 : memref<1x8x1024xf32, #tpu.memory_space<hbm>> -> memref<8x1024xf32, #tpu.memory_space<hbm>>
      tpu.enqueue_dma source(%arg8 : memref<8x1024xf32, #tpu.memory_space<vmem>>) target(%dma_start3A_163 : memref<8x1024xf32, #tpu.memory_space<hbm>>) target_semaphore(%run_scoped3A : memref<!tpu.dma_semaphore, #tpu.memory_space<semaphore_mem>>)
      %dma_wait3A_164 = arith.constant 0 : i32
      %dma_wait3A_165 = tpu.memref_slice %arg5[%select_n3A, %add3A_125, %dma_wait3A_164] : memref<8x64x1024xf32, #tpu.memory_space<hbm>> -> memref<1x8x1024xf32, #tpu.memory_space<hbm>>
      %dma_wait3A_166 = tpu.memref_squeeze %dma_wait3A_165 : memref<1x8x1024xf32, #tpu.memory_space<hbm>> -> memref<8x1024xf32, #tpu.memory_space<hbm>>
      %dma_wait3A_167 = arith.constant 0 : i32
      %dma_wait3A_168 = tpu.memref_slice %arg5[%select_n3A, %add3A_125, %dma_wait3A_167] : memref<8x64x1024xf32, #tpu.memory_space<hbm>> -> memref<1x8x1024xf32, #tpu.memory_space<hbm>>
      %dma_wait3A_169 = tpu.memref_squeeze %dma_wait3A_168 : memref<1x8x1024xf32, #tpu.memory_space<hbm>> -> memref<8x1024xf32, #tpu.memory_space<hbm>>
      tpu.wait_dma2 semaphore(%run_scoped3A : memref<!tpu.dma_semaphore, #tpu.memory_space<semaphore_mem>>) src(%arg8 : memref<8x1024xf32, #tpu.memory_space<vmem>>) dst(%dma_wait3A_169 : memref<8x1024xf32, #tpu.memory_space<hbm>>)
      tpu.yield
    }) : () -> ()
    %scan3A_126 = arith.constant 0 : i32
    %scan3A_127 = arith.constant 0 : i32
    %scan3A_128 = arith.constant 4 : i32
    %scan3A_129 = arith.addi %scan3A_127, %scan3A_128 : i32
    %scan3A_130 = arith.constant 1 : i32
    scf.for %scan3A_158 = %scan3A_127 to %scan3A_129 step %scan3A_130  : i32 {
      %mul3A_159 = arith.constant 2 : i32
      %mul3A_160 = arith.muli %mul3A_159, %scan3A_158 : i32
      %add3A_161 = arith.constant 8 : i32
      %add3A_162 = arith.addi %add3A_161, %mul3A_160 : i32
      %add3A_163 = arith.constant 0 : i32
      %add3A_164 = arith.addi %add3A_162, %add3A_163 : i32
      %add3A_165 = arith.constant 24 : i32
      %add3A_166 = arith.addi %add3A_165, %select_n3A : i32
      %add3A_167 = arith.constant 0 : i32
      %add3A_168 = arith.addi %mul3A_32, %add3A_167 : i32
      %mul3A_169 = arith.constant 128 : i32
      %mul3A_170 = arith.muli %add3A_168, %mul3A_169 : i32
      %dma_wait3A_171 = arith.constant 0 : i32
      %dma_wait3A_172 = tpu.memref_slice %arg3[%add3A_166, %dma_wait3A_171, %mul3A_170] : memref<32x64x8192xf32, #tpu.memory_space<hbm>> -> memref<1x64x128xf32, #tpu.memory_space<hbm>>
      %dma_wait3A_173 = tpu.memref_squeeze %dma_wait3A_172 : memref<1x64x128xf32, #tpu.memory_space<hbm>> -> memref<64x128xf32, #tpu.memory_space<hbm>>
      %dma_wait3A_174 = arith.constant 0 : i32
      %dma_wait3A_175 = tpu.memref_slice %arg3[%add3A_166, %dma_wait3A_174, %mul3A_170] : memref<32x64x8192xf32, #tpu.memory_space<hbm>> -> memref<1x64x128xf32, #tpu.memory_space<hbm>>
      %dma_wait3A_176 = tpu.memref_squeeze %dma_wait3A_175 : memref<1x64x128xf32, #tpu.memory_space<hbm>> -> memref<64x128xf32, #tpu.memory_space<hbm>>
      tpu.wait_dma2 semaphore(%arg9 : memref<!tpu.dma_semaphore, #tpu.memory_space<semaphore_mem>>) src(%dma_wait3A_176 : memref<64x128xf32, #tpu.memory_space<hbm>>) dst(%arg6 : memref<64x128xf32, #tpu.memory_space<vmem>>)
      %mul3A_177 = arith.constant 2 : i32
      %mul3A_178 = arith.muli %mul3A_177, %scan3A_158 : i32
      %add3A_179 = arith.constant 0 : i32
      %add3A_180 = arith.addi %mul3A_178, %add3A_179 : i32
      %scan3A_181 = arith.constant 0 : i32
      %scan3A_182 = arith.constant 0 : i32
      %scan3A_183 = arith.constant 32 : i32
      %scan3A_184 = arith.addi %scan3A_182, %scan3A_183 : i32
      %scan3A_185 = arith.constant 1 : i32
      scf.for %scan3A_244 = %scan3A_182 to %scan3A_184 step %scan3A_185  : i32 {
        %mul3A_245 = arith.constant 2 : i32
        %mul3A_246 = arith.muli %mul3A_245, %scan3A_244 : i32
        %get3A = arith.index_cast %mul3A_246 : i32 to index
        %get3A_247 = arith.constant 0 : index
        %get3A_248 = tpu.vector_load %arg6[%get3A, %get3A_247] {strides = array<i32>} : memref<64x128xf32, #tpu.memory_space<vmem>>, vector<1x16xf32>,
        %get3A_249 = vector.shape_cast %get3A_248 : vector<1x16xf32> to vector<16xf32>
        %get3A_250 = arith.index_cast %mul3A_246 : i32 to index
        %get3A_251 = arith.constant 16 : index
        %get3A_252 = tpu.vector_load %arg6[%get3A_250, %get3A_251] {strides = array<i32>} : memref<64x128xf32, #tpu.memory_space<vmem>>, vector<1x16xf32>,
        %get3A_253 = vector.shape_cast %get3A_252 : vector<1x16xf32> to vector<16xf32>
        %get3A_254 = arith.index_cast %mul3A_246 : i32 to index
        %get3A_255 = arith.constant 32 : index
        %get3A_256 = tpu.vector_load %arg6[%get3A_254, %get3A_255] {strides = array<i32>} : memref<64x128xf32, #tpu.memory_space<vmem>>, vector<1x16xf32>,
        %get3A_257 = vector.shape_cast %get3A_256 : vector<1x16xf32> to vector<16xf32>
        %get3A_258 = arith.index_cast %mul3A_246 : i32 to index
        %get3A_259 = arith.constant 48 : index
        %get3A_260 = tpu.vector_load %arg6[%get3A_258, %get3A_259] {strides = array<i32>} : memref<64x128xf32, #tpu.memory_space<vmem>>, vector<1x16xf32>,
        %get3A_261 = vector.shape_cast %get3A_260 : vector<1x16xf32> to vector<16xf32>
        %get3A_262 = arith.index_cast %mul3A_246 : i32 to index
        %get3A_263 = arith.constant 64 : index
        %get3A_264 = tpu.vector_load %arg6[%get3A_262, %get3A_263] {strides = array<i32>} : memref<64x128xf32, #tpu.memory_space<vmem>>, vector<1x16xf32>,
        %get3A_265 = vector.shape_cast %get3A_264 : vector<1x16xf32> to vector<16xf32>
        %get3A_266 = arith.index_cast %mul3A_246 : i32 to index
        %get3A_267 = arith.constant 80 : index
        %get3A_268 = tpu.vector_load %arg6[%get3A_266, %get3A_267] {strides = array<i32>} : memref<64x128xf32, #tpu.memory_space<vmem>>, vector<1x16xf32>,
        %get3A_269 = vector.shape_cast %get3A_268 : vector<1x16xf32> to vector<16xf32>
        %get3A_270 = arith.index_cast %mul3A_246 : i32 to index
        %get3A_271 = arith.constant 96 : index
        %get3A_272 = tpu.vector_load %arg6[%get3A_270, %get3A_271] {strides = array<i32>} : memref<64x128xf32, #tpu.memory_space<vmem>>, vector<1x16xf32>,
        %get3A_273 = vector.shape_cast %get3A_272 : vector<1x16xf32> to vector<16xf32>
        %get3A_274 = arith.index_cast %mul3A_246 : i32 to index
        %get3A_275 = arith.constant 112 : index
        %get3A_276 = tpu.vector_load %arg6[%get3A_274, %get3A_275] {strides = array<i32>} : memref<64x128xf32, #tpu.memory_space<vmem>>, vector<1x16xf32>,
        %get3A_277 = vector.shape_cast %get3A_276 : vector<1x16xf32> to vector<16xf32>
        %add3A_278 = arith.addf %get3A_249, %get3A_253 : vector<16xf32>
        %add3A_279 = arith.addf %get3A_257, %get3A_261 : vector<16xf32>
        %add3A_280 = arith.addf %add3A_278, %add3A_279 : vector<16xf32>
        %add3A_281 = arith.addf %get3A_265, %get3A_269 : vector<16xf32>
        %add3A_282 = arith.addf %get3A_273, %get3A_277 : vector<16xf32>
        %add3A_283 = arith.addf %add3A_281, %add3A_282 : vector<16xf32>
        %add3A_284 = arith.addf %add3A_280, %add3A_283 : vector<16xf32>
        %mul3A_285 = arith.constant 16 : i32
        %mul3A_286 = arith.muli %mul3A_246, %mul3A_285 : i32
        %swap3A = arith.index_cast %add3A_180 : i32 to index
        %swap3A_287 = arith.index_cast %mul3A_286 : i32 to index
        %swap3A_288 = tpu.vector_load %arg8[%swap3A, %swap3A_287] {strides = array<i32>} : memref<8x1024xf32, #tpu.memory_space<vmem>>, vector<1x16xf32>,
        %swap3A_289 = vector.shape_cast %swap3A_288 : vector<1x16xf32> to vector<16xf32>
        %swap3A_290 = vector.shape_cast %add3A_284 : vector<16xf32> to vector<1x16xf32>
        tpu.vector_store %arg8[%swap3A, %swap3A_287], %swap3A_290 {strides = array<i32>} : memref<8x1024xf32, #tpu.memory_space<vmem>>, vector<1x16xf32>,
        %add3A_291 = arith.constant 1 : i32
        %add3A_292 = arith.addi %mul3A_246, %add3A_291 : i32
        %get3A_293 = arith.index_cast %add3A_292 : i32 to index
        %get3A_294 = arith.constant 0 : index
        %get3A_295 = tpu.vector_load %arg6[%get3A_293, %get3A_294] {strides = array<i32>} : memref<64x128xf32, #tpu.memory_space<vmem>>, vector<1x16xf32>,
        %get3A_296 = vector.shape_cast %get3A_295 : vector<1x16xf32> to vector<16xf32>
        %get3A_297 = arith.index_cast %add3A_292 : i32 to index
        %get3A_298 = arith.constant 16 : index
        %get3A_299 = tpu.vector_load %arg6[%get3A_297, %get3A_298] {strides = array<i32>} : memref<64x128xf32, #tpu.memory_space<vmem>>, vector<1x16xf32>,
        %get3A_300 = vector.shape_cast %get3A_299 : vector<1x16xf32> to vector<16xf32>
        %get3A_301 = arith.index_cast %add3A_292 : i32 to index
        %get3A_302 = arith.constant 32 : index
        %get3A_303 = tpu.vector_load %arg6[%get3A_301, %get3A_302] {strides = array<i32>} : memref<64x128xf32, #tpu.memory_space<vmem>>, vector<1x16xf32>,
        %get3A_304 = vector.shape_cast %get3A_303 : vector<1x16xf32> to vector<16xf32>
        %get3A_305 = arith.index_cast %add3A_292 : i32 to index
        %get3A_306 = arith.constant 48 : index
        %get3A_307 = tpu.vector_load %arg6[%get3A_305, %get3A_306] {strides = array<i32>} : memref<64x128xf32, #tpu.memory_space<vmem>>, vector<1x16xf32>,
        %get3A_308 = vector.shape_cast %get3A_307 : vector<1x16xf32> to vector<16xf32>
        %get3A_309 = arith.index_cast %add3A_292 : i32 to index
        %get3A_310 = arith.constant 64 : index
        %get3A_311 = tpu.vector_load %arg6[%get3A_309, %get3A_310] {strides = array<i32>} : memref<64x128xf32, #tpu.memory_space<vmem>>, vector<1x16xf32>,
        %get3A_312 = vector.shape_cast %get3A_311 : vector<1x16xf32> to vector<16xf32>
        %get3A_313 = arith.index_cast %add3A_292 : i32 to index
        %get3A_314 = arith.constant 80 : index
        %get3A_315 = tpu.vector_load %arg6[%get3A_313, %get3A_314] {strides = array<i32>} : memref<64x128xf32, #tpu.memory_space<vmem>>, vector<1x16xf32>,
        %get3A_316 = vector.shape_cast %get3A_315 : vector<1x16xf32> to vector<16xf32>
        %get3A_317 = arith.index_cast %add3A_292 : i32 to index
        %get3A_318 = arith.constant 96 : index
        %get3A_319 = tpu.vector_load %arg6[%get3A_317, %get3A_318] {strides = array<i32>} : memref<64x128xf32, #tpu.memory_space<vmem>>, vector<1x16xf32>,
        %get3A_320 = vector.shape_cast %get3A_319 : vector<1x16xf32> to vector<16xf32>
        %get3A_321 = arith.index_cast %add3A_292 : i32 to index
        %get3A_322 = arith.constant 112 : index
        %get3A_323 = tpu.vector_load %arg6[%get3A_321, %get3A_322] {strides = array<i32>} : memref<64x128xf32, #tpu.memory_space<vmem>>, vector<1x16xf32>,
        %get3A_324 = vector.shape_cast %get3A_323 : vector<1x16xf32> to vector<16xf32>
        %add3A_325 = arith.addf %get3A_296, %get3A_300 : vector<16xf32>
        %add3A_326 = arith.addf %get3A_304, %get3A_308 : vector<16xf32>
        %add3A_327 = arith.addf %add3A_325, %add3A_326 : vector<16xf32>
        %add3A_328 = arith.addf %get3A_312, %get3A_316 : vector<16xf32>
        %add3A_329 = arith.addf %get3A_320, %get3A_324 : vector<16xf32>
        %add3A_330 = arith.addf %add3A_328, %add3A_329 : vector<16xf32>
        %add3A_331 = arith.addf %add3A_327, %add3A_330 : vector<16xf32>
        %add3A_332 = arith.constant 1 : i32
        %add3A_333 = arith.addi %mul3A_246, %add3A_332 : i32
        %mul3A_334 = arith.constant 16 : i32
        %mul3A_335 = arith.muli %add3A_333, %mul3A_334 : i32
        %swap3A_336 = arith.index_cast %add3A_180 : i32 to index
        %swap3A_337 = arith.index_cast %mul3A_335 : i32 to index
        %swap3A_338 = tpu.vector_load %arg8[%swap3A_336, %swap3A_337] {strides = array<i32>} : memref<8x1024xf32, #tpu.memory_space<vmem>>, vector<1x16xf32>,
        %swap3A_339 = vector.shape_cast %swap3A_338 : vector<1x16xf32> to vector<16xf32>
        %swap3A_340 = vector.shape_cast %add3A_331 : vector<16xf32> to vector<1x16xf32>
        tpu.vector_store %arg8[%swap3A_336, %swap3A_337], %swap3A_340 {strides = array<i32>} : memref<8x1024xf32, #tpu.memory_space<vmem>>, vector<1x16xf32>,
      }
      %scan3A_186 = arith.constant 32 : i32
      %add3A_187 = arith.constant 2 : i32
      %add3A_188 = arith.addi %add3A_164, %add3A_187 : i32
      %min3A = arith.constant 15 : i32
      %min3A_189 = arith.minsi %add3A_188, %min3A : i32
      %add3A_190 = arith.constant 24 : i32
      %add3A_191 = arith.addi %add3A_190, %select_n3A : i32
      %add3A_192 = arith.addi %mul3A_32, %min3A_189 : i32
      %mul3A_193 = arith.constant 128 : i32
      %mul3A_194 = arith.muli %add3A_192, %mul3A_193 : i32
      %dma_start3A_195 = arith.constant 0 : i32
      %dma_start3A_196 = tpu.memref_slice %arg3[%add3A_191, %dma_start3A_195, %mul3A_194] : memref<32x64x8192xf32, #tpu.memory_space<hbm>> -> memref<1x64x128xf32, #tpu.memory_space<hbm>>
      %dma_start3A_197 = tpu.memref_squeeze %dma_start3A_196 : memref<1x64x128xf32, #tpu.memory_space<hbm>> -> memref<64x128xf32, #tpu.memory_space<hbm>>
      %dma_start3A_198 = arith.constant 0 : i32
      %dma_start3A_199 = tpu.memref_slice %arg3[%add3A_191, %dma_start3A_198, %mul3A_194] : memref<32x64x8192xf32, #tpu.memory_space<hbm>> -> memref<1x64x128xf32, #tpu.memory_space<hbm>>
      %dma_start3A_200 = tpu.memref_squeeze %dma_start3A_199 : memref<1x64x128xf32, #tpu.memory_space<hbm>> -> memref<64x128xf32, #tpu.memory_space<hbm>>
      tpu.enqueue_dma source(%dma_start3A_200 : memref<64x128xf32, #tpu.memory_space<hbm>>) target(%arg6 : memref<64x128xf32, #tpu.memory_space<vmem>>) target_semaphore(%arg9 : memref<!tpu.dma_semaphore, #tpu.memory_space<semaphore_mem>>)
      %mul3A_201 = arith.constant 2 : i32
      %mul3A_202 = arith.muli %mul3A_201, %scan3A_158 : i32
      %add3A_203 = arith.constant 8 : i32
      %add3A_204 = arith.addi %add3A_203, %mul3A_202 : i32
      %add3A_205 = arith.constant 1 : i32
      %add3A_206 = arith.addi %add3A_204, %add3A_205 : i32
      %add3A_207 = arith.constant 24 : i32
      %add3A_208 = arith.addi %add3A_207, %select_n3A : i32
      %add3A_209 = arith.constant 0 : i32
      %add3A_210 = arith.addi %mul3A_32, %add3A_209 : i32
      %mul3A_211 = arith.constant 128 : i32
      %mul3A_212 = arith.muli %add3A_210, %mul3A_211 : i32
      %dma_wait3A_213 = arith.constant 0 : i32
      %dma_wait3A_214 = tpu.memref_slice %arg3[%add3A_208, %dma_wait3A_213, %mul3A_212] : memref<32x64x8192xf32, #tpu.memory_space<hbm>> -> memref<1x64x128xf32, #tpu.memory_space<hbm>>
      %dma_wait3A_215 = tpu.memref_squeeze %dma_wait3A_214 : memref<1x64x128xf32, #tpu.memory_space<hbm>> -> memref<64x128xf32, #tpu.memory_space<hbm>>
      %dma_wait3A_216 = arith.constant 0 : i32
      %dma_wait3A_217 = tpu.memref_slice %arg3[%add3A_208, %dma_wait3A_216, %mul3A_212] : memref<32x64x8192xf32, #tpu.memory_space<hbm>> -> memref<1x64x128xf32, #tpu.memory_space<hbm>>
      %dma_wait3A_218 = tpu.memref_squeeze %dma_wait3A_217 : memref<1x64x128xf32, #tpu.memory_space<hbm>> -> memref<64x128xf32, #tpu.memory_space<hbm>>
      tpu.wait_dma2 semaphore(%arg10 : memref<!tpu.dma_semaphore, #tpu.memory_space<semaphore_mem>>) src(%dma_wait3A_218 : memref<64x128xf32, #tpu.memory_space<hbm>>) dst(%arg7 : memref<64x128xf32, #tpu.memory_space<vmem>>)
      %mul3A_219 = arith.constant 2 : i32
      %mul3A_220 = arith.muli %mul3A_219, %scan3A_158 : i32
      %add3A_221 = arith.constant 1 : i32
      %add3A_222 = arith.addi %mul3A_220, %add3A_221 : i32
      %scan3A_223 = arith.constant 0 : i32
      %scan3A_224 = arith.constant 0 : i32
      %scan3A_225 = arith.constant 32 : i32
      %scan3A_226 = arith.addi %scan3A_224, %scan3A_225 : i32
      %scan3A_227 = arith.constant 1 : i32
      scf.for %scan3A_244 = %scan3A_224 to %scan3A_226 step %scan3A_227  : i32 {
        %mul3A_245 = arith.constant 2 : i32
        %mul3A_246 = arith.muli %mul3A_245, %scan3A_244 : i32
        %get3A = arith.index_cast %mul3A_246 : i32 to index
        %get3A_247 = arith.constant 0 : index
        %get3A_248 = tpu.vector_load %arg7[%get3A, %get3A_247] {strides = array<i32>} : memref<64x128xf32, #tpu.memory_space<vmem>>, vector<1x16xf32>,
        %get3A_249 = vector.shape_cast %get3A_248 : vector<1x16xf32> to vector<16xf32>
        %get3A_250 = arith.index_cast %mul3A_246 : i32 to index
        %get3A_251 = arith.constant 16 : index
        %get3A_252 = tpu.vector_load %arg7[%get3A_250, %get3A_251] {strides = array<i32>} : memref<64x128xf32, #tpu.memory_space<vmem>>, vector<1x16xf32>,
        %get3A_253 = vector.shape_cast %get3A_252 : vector<1x16xf32> to vector<16xf32>
        %get3A_254 = arith.index_cast %mul3A_246 : i32 to index
        %get3A_255 = arith.constant 32 : index
        %get3A_256 = tpu.vector_load %arg7[%get3A_254, %get3A_255] {strides = array<i32>} : memref<64x128xf32, #tpu.memory_space<vmem>>, vector<1x16xf32>,
        %get3A_257 = vector.shape_cast %get3A_256 : vector<1x16xf32> to vector<16xf32>
        %get3A_258 = arith.index_cast %mul3A_246 : i32 to index
        %get3A_259 = arith.constant 48 : index
        %get3A_260 = tpu.vector_load %arg7[%get3A_258, %get3A_259] {strides = array<i32>} : memref<64x128xf32, #tpu.memory_space<vmem>>, vector<1x16xf32>,
        %get3A_261 = vector.shape_cast %get3A_260 : vector<1x16xf32> to vector<16xf32>
        %get3A_262 = arith.index_cast %mul3A_246 : i32 to index
        %get3A_263 = arith.constant 64 : index
        %get3A_264 = tpu.vector_load %arg7[%get3A_262, %get3A_263] {strides = array<i32>} : memref<64x128xf32, #tpu.memory_space<vmem>>, vector<1x16xf32>,
        %get3A_265 = vector.shape_cast %get3A_264 : vector<1x16xf32> to vector<16xf32>
        %get3A_266 = arith.index_cast %mul3A_246 : i32 to index
        %get3A_267 = arith.constant 80 : index
        %get3A_268 = tpu.vector_load %arg7[%get3A_266, %get3A_267] {strides = array<i32>} : memref<64x128xf32, #tpu.memory_space<vmem>>, vector<1x16xf32>,
        %get3A_269 = vector.shape_cast %get3A_268 : vector<1x16xf32> to vector<16xf32>
        %get3A_270 = arith.index_cast %mul3A_246 : i32 to index
        %get3A_271 = arith.constant 96 : index
        %get3A_272 = tpu.vector_load %arg7[%get3A_270, %get3A_271] {strides = array<i32>} : memref<64x128xf32, #tpu.memory_space<vmem>>, vector<1x16xf32>,
        %get3A_273 = vector.shape_cast %get3A_272 : vector<1x16xf32> to vector<16xf32>
        %get3A_274 = arith.index_cast %mul3A_246 : i32 to index
        %get3A_275 = arith.constant 112 : index
        %get3A_276 = tpu.vector_load %arg7[%get3A_274, %get3A_275] {strides = array<i32>} : memref<64x128xf32, #tpu.memory_space<vmem>>, vector<1x16xf32>,
        %get3A_277 = vector.shape_cast %get3A_276 : vector<1x16xf32> to vector<16xf32>
        %add3A_278 = arith.addf %get3A_249, %get3A_253 : vector<16xf32>
        %add3A_279 = arith.addf %get3A_257, %get3A_261 : vector<16xf32>
        %add3A_280 = arith.addf %add3A_278, %add3A_279 : vector<16xf32>
        %add3A_281 = arith.addf %get3A_265, %get3A_269 : vector<16xf32>
        %add3A_282 = arith.addf %get3A_273, %get3A_277 : vector<16xf32>
        %add3A_283 = arith.addf %add3A_281, %add3A_282 : vector<16xf32>
        %add3A_284 = arith.addf %add3A_280, %add3A_283 : vector<16xf32>
        %mul3A_285 = arith.constant 16 : i32
        %mul3A_286 = arith.muli %mul3A_246, %mul3A_285 : i32
        %swap3A = arith.index_cast %add3A_222 : i32 to index
        %swap3A_287 = arith.index_cast %mul3A_286 : i32 to index
        %swap3A_288 = tpu.vector_load %arg8[%swap3A, %swap3A_287] {strides = array<i32>} : memref<8x1024xf32, #tpu.memory_space<vmem>>, vector<1x16xf32>,
        %swap3A_289 = vector.shape_cast %swap3A_288 : vector<1x16xf32> to vector<16xf32>
        %swap3A_290 = vector.shape_cast %add3A_284 : vector<16xf32> to vector<1x16xf32>
        tpu.vector_store %arg8[%swap3A, %swap3A_287], %swap3A_290 {strides = array<i32>} : memref<8x1024xf32, #tpu.memory_space<vmem>>, vector<1x16xf32>,
        %add3A_291 = arith.constant 1 : i32
        %add3A_292 = arith.addi %mul3A_246, %add3A_291 : i32
        %get3A_293 = arith.index_cast %add3A_292 : i32 to index
        %get3A_294 = arith.constant 0 : index
        %get3A_295 = tpu.vector_load %arg7[%get3A_293, %get3A_294] {strides = array<i32>} : memref<64x128xf32, #tpu.memory_space<vmem>>, vector<1x16xf32>,
        %get3A_296 = vector.shape_cast %get3A_295 : vector<1x16xf32> to vector<16xf32>
        %get3A_297 = arith.index_cast %add3A_292 : i32 to index
        %get3A_298 = arith.constant 16 : index
        %get3A_299 = tpu.vector_load %arg7[%get3A_297, %get3A_298] {strides = array<i32>} : memref<64x128xf32, #tpu.memory_space<vmem>>, vector<1x16xf32>,
        %get3A_300 = vector.shape_cast %get3A_299 : vector<1x16xf32> to vector<16xf32>
        %get3A_301 = arith.index_cast %add3A_292 : i32 to index
        %get3A_302 = arith.constant 32 : index
        %get3A_303 = tpu.vector_load %arg7[%get3A_301, %get3A_302] {strides = array<i32>} : memref<64x128xf32, #tpu.memory_space<vmem>>, vector<1x16xf32>,
        %get3A_304 = vector.shape_cast %get3A_303 : vector<1x16xf32> to vector<16xf32>
        %get3A_305 = arith.index_cast %add3A_292 : i32 to index
        %get3A_306 = arith.constant 48 : index
        %get3A_307 = tpu.vector_load %arg7[%get3A_305, %get3A_306] {strides = array<i32>} : memref<64x128xf32, #tpu.memory_space<vmem>>, vector<1x16xf32>,
        %get3A_308 = vector.shape_cast %get3A_307 : vector<1x16xf32> to vector<16xf32>
        %get3A_309 = arith.index_cast %add3A_292 : i32 to index
        %get3A_310 = arith.constant 64 : index
        %get3A_311 = tpu.vector_load %arg7[%get3A_309, %get3A_310] {strides = array<i32>} : memref<64x128xf32, #tpu.memory_space<vmem>>, vector<1x16xf32>,
        %get3A_312 = vector.shape_cast %get3A_311 : vector<1x16xf32> to vector<16xf32>
        %get3A_313 = arith.index_cast %add3A_292 : i32 to index
        %get3A_314 = arith.constant 80 : index
        %get3A_315 = tpu.vector_load %arg7[%get3A_313, %get3A_314] {strides = array<i32>} : memref<64x128xf32, #tpu.memory_space<vmem>>, vector<1x16xf32>,
        %get3A_316 = vector.shape_cast %get3A_315 : vector<1x16xf32> to vector<16xf32>
        %get3A_317 = arith.index_cast %add3A_292 : i32 to index
        %get3A_318 = arith.constant 96 : index
        %get3A_319 = tpu.vector_load %arg7[%get3A_317, %get3A_318] {strides = array<i32>} : memref<64x128xf32, #tpu.memory_space<vmem>>, vector<1x16xf32>,
        %get3A_320 = vector.shape_cast %get3A_319 : vector<1x16xf32> to vector<16xf32>
        %get3A_321 = arith.index_cast %add3A_292 : i32 to index
        %get3A_322 = arith.constant 112 : index
        %get3A_323 = tpu.vector_load %arg7[%get3A_321, %get3A_322] {strides = array<i32>} : memref<64x128xf32, #tpu.memory_space<vmem>>, vector<1x16xf32>,
        %get3A_324 = vector.shape_cast %get3A_323 : vector<1x16xf32> to vector<16xf32>
        %add3A_325 = arith.addf %get3A_296, %get3A_300 : vector<16xf32>
        %add3A_326 = arith.addf %get3A_304, %get3A_308 : vector<16xf32>
        %add3A_327 = arith.addf %add3A_325, %add3A_326 : vector<16xf32>
        %add3A_328 = arith.addf %get3A_312, %get3A_316 : vector<16xf32>
        %add3A_329 = arith.addf %get3A_320, %get3A_324 : vector<16xf32>
        %add3A_330 = arith.addf %add3A_328, %add3A_329 : vector<16xf32>
        %add3A_331 = arith.addf %add3A_327, %add3A_330 : vector<16xf32>
        %add3A_332 = arith.constant 1 : i32
        %add3A_333 = arith.addi %mul3A_246, %add3A_332 : i32
        %mul3A_334 = arith.constant 16 : i32
        %mul3A_335 = arith.muli %add3A_333, %mul3A_334 : i32
        %swap3A_336 = arith.index_cast %add3A_222 : i32 to index
        %swap3A_337 = arith.index_cast %mul3A_335 : i32 to index
        %swap3A_338 = tpu.vector_load %arg8[%swap3A_336, %swap3A_337] {strides = array<i32>} : memref<8x1024xf32, #tpu.memory_space<vmem>>, vector<1x16xf32>,
        %swap3A_339 = vector.shape_cast %swap3A_338 : vector<1x16xf32> to vector<16xf32>
        %swap3A_340 = vector.shape_cast %add3A_331 : vector<16xf32> to vector<1x16xf32>
        tpu.vector_store %arg8[%swap3A_336, %swap3A_337], %swap3A_340 {strides = array<i32>} : memref<8x1024xf32, #tpu.memory_space<vmem>>, vector<1x16xf32>,
      }
      %scan3A_228 = arith.constant 32 : i32
      %add3A_229 = arith.constant 2 : i32
      %add3A_230 = arith.addi %add3A_206, %add3A_229 : i32
      %min3A_231 = arith.constant 15 : i32
      %min3A_232 = arith.minsi %add3A_230, %min3A_231 : i32
      %add3A_233 = arith.constant 24 : i32
      %add3A_234 = arith.addi %add3A_233, %select_n3A : i32
      %add3A_235 = arith.addi %mul3A_32, %min3A_232 : i32
      %mul3A_236 = arith.constant 128 : i32
      %mul3A_237 = arith.muli %add3A_235, %mul3A_236 : i32
      %dma_start3A_238 = arith.constant 0 : i32
      %dma_start3A_239 = tpu.memref_slice %arg3[%add3A_234, %dma_start3A_238, %mul3A_237] : memref<32x64x8192xf32, #tpu.memory_space<hbm>> -> memref<1x64x128xf32, #tpu.memory_space<hbm>>
      %dma_start3A_240 = tpu.memref_squeeze %dma_start3A_239 : memref<1x64x128xf32, #tpu.memory_space<hbm>> -> memref<64x128xf32, #tpu.memory_space<hbm>>
      %dma_start3A_241 = arith.constant 0 : i32
      %dma_start3A_242 = tpu.memref_slice %arg3[%add3A_234, %dma_start3A_241, %mul3A_237] : memref<32x64x8192xf32, #tpu.memory_space<hbm>> -> memref<1x64x128xf32, #tpu.memory_space<hbm>>
      %dma_start3A_243 = tpu.memref_squeeze %dma_start3A_242 : memref<1x64x128xf32, #tpu.memory_space<hbm>> -> memref<64x128xf32, #tpu.memory_space<hbm>>
      tpu.enqueue_dma source(%dma_start3A_243 : memref<64x128xf32, #tpu.memory_space<hbm>>) target(%arg7 : memref<64x128xf32, #tpu.memory_space<vmem>>) target_semaphore(%arg10 : memref<!tpu.dma_semaphore, #tpu.memory_space<semaphore_mem>>)
    }
    %scan3A_131 = arith.constant 4 : i32
    %add3A_132 = arith.constant 8 : i32
    %add3A_133 = arith.addi %mul3A_32, %add3A_132 : i32
    "tpu.region"() ({
      %run_scoped3A = tpu.sem_alloc : memref<!tpu.dma_semaphore, #tpu.memory_space<semaphore_mem>>
      %dma_start3A_158 = arith.constant 0 : i32
      %dma_start3A_159 = tpu.memref_slice %arg5[%select_n3A, %add3A_133, %dma_start3A_158] : memref<8x64x1024xf32, #tpu.memory_space<hbm>> -> memref<1x8x1024xf32, #tpu.memory_space<hbm>>
      %dma_start3A_160 = tpu.memref_squeeze %dma_start3A_159 : memref<1x8x1024xf32, #tpu.memory_space<hbm>> -> memref<8x1024xf32, #tpu.memory_space<hbm>>
      %dma_start3A_161 = arith.constant 0 : i32
      %dma_start3A_162 = tpu.memref_slice %arg5[%select_n3A, %add3A_133, %dma_start3A_161] : memref<8x64x1024xf32, #tpu.memory_space<hbm>> -> memref<1x8x1024xf32, #tpu.memory_space<hbm>>
      %dma_start3A_163 = tpu.memref_squeeze %dma_start3A_162 : memref<1x8x1024xf32, #tpu.memory_space<hbm>> -> memref<8x1024xf32, #tpu.memory_space<hbm>>
      tpu.enqueue_dma source(%arg8 : memref<8x1024xf32, #tpu.memory_space<vmem>>) target(%dma_start3A_163 : memref<8x1024xf32, #tpu.memory_space<hbm>>) target_semaphore(%run_scoped3A : memref<!tpu.dma_semaphore, #tpu.memory_space<semaphore_mem>>)
      %dma_wait3A_164 = arith.constant 0 : i32
      %dma_wait3A_165 = tpu.memref_slice %arg5[%select_n3A, %add3A_133, %dma_wait3A_164] : memref<8x64x1024xf32, #tpu.memory_space<hbm>> -> memref<1x8x1024xf32, #tpu.memory_space<hbm>>
      %dma_wait3A_166 = tpu.memref_squeeze %dma_wait3A_165 : memref<1x8x1024xf32, #tpu.memory_space<hbm>> -> memref<8x1024xf32, #tpu.memory_space<hbm>>
      %dma_wait3A_167 = arith.constant 0 : i32
      %dma_wait3A_168 = tpu.memref_slice %arg5[%select_n3A, %add3A_133, %dma_wait3A_167] : memref<8x64x1024xf32, #tpu.memory_space<hbm>> -> memref<1x8x1024xf32, #tpu.memory_space<hbm>>
      %dma_wait3A_169 = tpu.memref_squeeze %dma_wait3A_168 : memref<1x8x1024xf32, #tpu.memory_space<hbm>> -> memref<8x1024xf32, #tpu.memory_space<hbm>>
      tpu.wait_dma2 semaphore(%run_scoped3A : memref<!tpu.dma_semaphore, #tpu.memory_space<semaphore_mem>>) src(%arg8 : memref<8x1024xf32, #tpu.memory_space<vmem>>) dst(%dma_wait3A_169 : memref<8x1024xf32, #tpu.memory_space<hbm>>)
      tpu.yield
    }) : () -> ()
    %add3A_134 = arith.constant 24 : i32
    %add3A_135 = arith.addi %add3A_134, %select_n3A : i32
    %add3A_136 = arith.constant 0 : i32
    %add3A_137 = arith.addi %mul3A_32, %add3A_136 : i32
    %mul3A_138 = arith.constant 128 : i32
    %mul3A_139 = arith.muli %add3A_137, %mul3A_138 : i32
    %dma_wait3A_140 = arith.constant 0 : i32
    %dma_wait3A_141 = tpu.memref_slice %arg3[%add3A_135, %dma_wait3A_140, %mul3A_139] : memref<32x64x8192xf32, #tpu.memory_space<hbm>> -> memref<1x64x128xf32, #tpu.memory_space<hbm>>
    %dma_wait3A_142 = tpu.memref_squeeze %dma_wait3A_141 : memref<1x64x128xf32, #tpu.memory_space<hbm>> -> memref<64x128xf32, #tpu.memory_space<hbm>>
    %dma_wait3A_143 = arith.constant 0 : i32
    %dma_wait3A_144 = tpu.memref_slice %arg3[%add3A_135, %dma_wait3A_143, %mul3A_139] : memref<32x64x8192xf32, #tpu.memory_space<hbm>> -> memref<1x64x128xf32, #tpu.memory_space<hbm>>
    %dma_wait3A_145 = tpu.memref_squeeze %dma_wait3A_144 : memref<1x64x128xf32, #tpu.memory_space<hbm>> -> memref<64x128xf32, #tpu.memory_space<hbm>>
    tpu.wait_dma2 semaphore(%arg9 : memref<!tpu.dma_semaphore, #tpu.memory_space<semaphore_mem>>) src(%dma_wait3A_145 : memref<64x128xf32, #tpu.memory_space<hbm>>) dst(%arg6 : memref<64x128xf32, #tpu.memory_space<vmem>>)
    %add3A_146 = arith.constant 24 : i32
    %add3A_147 = arith.addi %add3A_146, %select_n3A : i32
    %add3A_148 = arith.constant 0 : i32
    %add3A_149 = arith.addi %mul3A_32, %add3A_148 : i32
    %mul3A_150 = arith.constant 128 : i32
    %mul3A_151 = arith.muli %add3A_149, %mul3A_150 : i32
    %dma_wait3A_152 = arith.constant 0 : i32
    %dma_wait3A_153 = tpu.memref_slice %arg3[%add3A_147, %dma_wait3A_152, %mul3A_151] : memref<32x64x8192xf32, #tpu.memory_space<hbm>> -> memref<1x64x128xf32, #tpu.memory_space<hbm>>
    %dma_wait3A_154 = tpu.memref_squeeze %dma_wait3A_153 : memref<1x64x128xf32, #tpu.memory_space<hbm>> -> memref<64x128xf32, #tpu.memory_space<hbm>>
    %dma_wait3A_155 = arith.constant 0 : i32
    %dma_wait3A_156 = tpu.memref_slice %arg3[%add3A_147, %dma_wait3A_155, %mul3A_151] : memref<32x64x8192xf32, #tpu.memory_space<hbm>> -> memref<1x64x128xf32, #tpu.memory_space<hbm>>
    %dma_wait3A_157 = tpu.memref_squeeze %dma_wait3A_156 : memref<1x64x128xf32, #tpu.memory_space<hbm>> -> memref<64x128xf32, #tpu.memory_space<hbm>>
    tpu.wait_dma2 semaphore(%arg10 : memref<!tpu.dma_semaphore, #tpu.memory_space<semaphore_mem>>) src(%dma_wait3A_157 : memref<64x128xf32, #tpu.memory_space<hbm>>) dst(%arg7 : memref<64x128xf32, #tpu.memory_space<vmem>>)
    return
  }
}

module attributes {stable_mosaic.version = 14 : i64} {
  func.func @_tc_fold_body(%arg0: i32, %arg1: memref<8x64x1024xf32, #tpu.memory_space<vmem>>, %arg2: memref<8x64x1024xf32, #tpu.memory_space<vmem>>, %arg3: memref<1024x64xf32, #tpu.memory_space<vmem>>, %arg4: memref<8x64x64xf32, #tpu.memory_space<vmem>>, %arg5: memref<8x64x64xf32, #tpu.memory_space<vmem>>, %arg6: memref<8x64x64xf32, #tpu.memory_space<vmem>>) attributes {dimension_semantics = [#tpu.dimension_semantics<arbitrary>], iteration_bounds = array<i64: 1>, scalar_prefetch = 0 : i64, scratch_operands = 0 : i64, tpu.core_type = #tpu.core_type<tc>, window_params = [{pipeline_mode = #tpu.pipeline_mode<synchronous>, transform_indices = @transform_0, window_bounds = array<i64: 8, 64, 1024>}, {pipeline_mode = #tpu.pipeline_mode<synchronous>, transform_indices = @transform_1, window_bounds = array<i64: 8, 64, 1024>}, {pipeline_mode = #tpu.pipeline_mode<synchronous>, transform_indices = @transform_2, window_bounds = array<i64: 1024, 64>}, {pipeline_mode = #tpu.pipeline_mode<synchronous>, transform_indices = @transform_3, window_bounds = array<i64: 8, 64, 64>}, {pipeline_mode = #tpu.pipeline_mode<synchronous>, transform_indices = @transform_4, window_bounds = array<i64: 8, 64, 64>}, {pipeline_mode = #tpu.pipeline_mode<synchronous>, transform_indices = @transform_5, window_bounds = array<i64: 8, 64, 64>}]} {
    %get3A = arith.constant 0 : index
    %get3A_0 = arith.constant 0 : index
    %get3A_1 = vector.load %arg3[%get3A, %get3A_0] : memref<1024x64xf32, #tpu.memory_space<vmem>>, vector<1024x64xf32>
    %get3A_2 = arith.constant 0 : index
    %get3A_3 = arith.constant 0 : index
    %get3A_4 = arith.constant 0 : index
    %get3A_5 = vector.load %arg1[%get3A_2, %get3A_3, %get3A_4] : memref<8x64x1024xf32, #tpu.memory_space<vmem>>, vector<8x64x1024xf32>
    %reshape3A = vector.shape_cast %get3A_5 : vector<8x64x1024xf32> to vector<512x1024xf32>
    %dot_general3A = arith.constant dense<0.000000e+00> : vector<512x64xf32>
    %dot_general3A_6 = tpu.matmul %reshape3A, %get3A_1, %dot_general3A {dimension_numbers = #tpu.dot_dimension_numbers<[1], [0], [0], [1], [0, 0, 1, 1], [], []>, transpose_lhs_hint = false} : vector<512x1024xf32>, vector<1024x64xf32>, vector<512x64xf32> -> vector<512x64xf32>
    %reshape3A_7 = vector.shape_cast %dot_general3A_6 : vector<512x64xf32> to vector<8x64x64xf32>
    %get3A_8 = arith.constant 0 : index
    %get3A_9 = arith.constant 0 : index
    %get3A_10 = arith.constant 0 : index
    %get3A_11 = vector.load %arg4[%get3A_8, %get3A_9, %get3A_10] : memref<8x64x64xf32, #tpu.memory_space<vmem>>, vector<8x64x64xf32>
    %add3A = arith.addf %reshape3A_7, %get3A_11 : vector<8x64x64xf32>
    %get3A_12 = arith.constant 0 : index
    %get3A_13 = arith.constant 0 : index
    %get3A_14 = arith.constant 0 : index
    %get3A_15 = vector.load %arg2[%get3A_12, %get3A_13, %get3A_14] : memref<8x64x1024xf32, #tpu.memory_space<vmem>>, vector<8x64x1024xf32>
    %reshape3A_16 = vector.shape_cast %get3A_15 : vector<8x64x1024xf32> to vector<512x1024xf32>
    %dot_general3A_17 = arith.constant dense<0.000000e+00> : vector<512x64xf32>
    %dot_general3A_18 = tpu.matmul %reshape3A_16, %get3A_1, %dot_general3A_17 {dimension_numbers = #tpu.dot_dimension_numbers<[1], [0], [0], [1], [0, 0, 1, 1], [], []>, transpose_lhs_hint = false} : vector<512x1024xf32>, vector<1024x64xf32>, vector<512x64xf32> -> vector<512x64xf32>
    %reshape3A_19 = vector.shape_cast %dot_general3A_18 : vector<512x64xf32> to vector<8x64x64xf32>
    %get3A_20 = arith.constant 0 : index
    %get3A_21 = arith.constant 0 : index
    %get3A_22 = arith.constant 0 : index
    %get3A_23 = vector.load %arg5[%get3A_20, %get3A_21, %get3A_22] : memref<8x64x64xf32, #tpu.memory_space<vmem>>, vector<8x64x64xf32>
    %add3A_24 = arith.addf %reshape3A_19, %get3A_23 : vector<8x64x64xf32>
    %dot_general3A_25 = arith.constant dense<0.000000e+00> : vector<8x64x64xf32>
    %dot_general3A_26 = tpu.matmul %add3A, %add3A_24, %dot_general3A_25 {dimension_numbers = #tpu.dot_dimension_numbers<[2], [2], [1], [1], [0, 0, 0, 1, 1, 1], [0], [0]>, transpose_lhs_hint = false} : vector<8x64x64xf32>, vector<8x64x64xf32>, vector<8x64x64xf32> -> vector<8x64x64xf32>
    %reduce_max3A = arith.constant dense<0xFF800000> : vector<8x64xf32>
    %reduce_max3A_27 = vector.multi_reduction <maximumf>, %dot_general3A_26, %reduce_max3A [2] : vector<8x64x64xf32> to vector<8x64xf32>
    %broadcast_in_dim3A = vector.shape_cast %reduce_max3A_27 : vector<8x64xf32> to vector<8x64x1xf32>
    %sub3A = vector.broadcast %broadcast_in_dim3A : vector<8x64x1xf32> to vector<8x64x64xf32>
    %sub3A_28 = arith.subf %dot_general3A_26, %sub3A : vector<8x64x64xf32>
    %exp3A = math.exp %sub3A_28 : vector<8x64x64xf32>
    %reduce_sum3A = arith.constant dense<0.000000e+00> : vector<8x64xf32>
    %reduce_sum3A_29 = vector.multi_reduction <add>, %exp3A, %reduce_sum3A [2] : vector<8x64x64xf32> to vector<8x64xf32>
    %broadcast_in_dim3A_30 = vector.shape_cast %reduce_sum3A_29 : vector<8x64xf32> to vector<8x64x1xf32>
    %div3A = vector.broadcast %broadcast_in_dim3A_30 : vector<8x64x1xf32> to vector<8x64x64xf32>
    %div3A_31 = arith.divf %exp3A, %div3A : vector<8x64x64xf32>
    %swap3A = arith.constant 0 : index
    %swap3A_32 = arith.constant 0 : index
    %swap3A_33 = arith.constant 0 : index
    %swap3A_34 = vector.load %arg6[%swap3A, %swap3A_32, %swap3A_33] : memref<8x64x64xf32, #tpu.memory_space<vmem>>, vector<8x64x64xf32>
    tpu.vector_store %arg6[%swap3A, %swap3A_32, %swap3A_33], %div3A_31 {strides = array<i32>} : memref<8x64x64xf32, #tpu.memory_space<vmem>>, vector<8x64x64xf32>,
    return
  }
  func.func @transform_0(%arg0: i32) -> (i32, i32, i32) {
    %c0_i32 = arith.constant 0 : i32
    %c0_i32_0 = arith.constant 0 : i32
    %c0_i32_1 = arith.constant 0 : i32
    %c0_i32_2 = arith.constant 0 : i32
    return %c0_i32, %c0_i32_0, %c0_i32_1 : i32, i32, i32
  }
  func.func @transform_1(%arg0: i32) -> (i32, i32, i32) {
    %c0_i32 = arith.constant 0 : i32
    %c0_i32_0 = arith.constant 0 : i32
    %c0_i32_1 = arith.constant 0 : i32
    %c0_i32_2 = arith.constant 0 : i32
    return %c0_i32, %c0_i32_0, %c0_i32_1 : i32, i32, i32
  }
  func.func @transform_2(%arg0: i32) -> (i32, i32) {
    %c0_i32 = arith.constant 0 : i32
    %c0_i32_0 = arith.constant 0 : i32
    %c0_i32_1 = arith.constant 0 : i32
    return %c0_i32, %c0_i32_0 : i32, i32
  }
  func.func @transform_3(%arg0: i32) -> (i32, i32, i32) {
    %c0_i32 = arith.constant 0 : i32
    %c0_i32_0 = arith.constant 0 : i32
    %c0_i32_1 = arith.constant 0 : i32
    %c0_i32_2 = arith.constant 0 : i32
    return %c0_i32, %c0_i32_0, %c0_i32_1 : i32, i32, i32
  }
  func.func @transform_4(%arg0: i32) -> (i32, i32, i32) {
    %c0_i32 = arith.constant 0 : i32
    %c0_i32_0 = arith.constant 0 : i32
    %c0_i32_1 = arith.constant 0 : i32
    %c0_i32_2 = arith.constant 0 : i32
    return %c0_i32, %c0_i32_0, %c0_i32_1 : i32, i32, i32
  }
  func.func @transform_5(%arg0: i32) -> (i32, i32, i32) {
    %c0_i32 = arith.constant 0 : i32
    %c0_i32_0 = arith.constant 0 : i32
    %c0_i32_1 = arith.constant 0 : i32
    %c0_i32_2 = arith.constant 0 : i32
    return %c0_i32, %c0_i32_0, %c0_i32_1 : i32, i32, i32
  }
}

module attributes {stable_mosaic.version = 14 : i64} {
  func.func @_tc_main_body(%arg0: i32, %arg1: memref<1x64x8192xf32, #tpu.memory_space<vmem>>, %arg2: memref<1x64x8192xf32, #tpu.memory_space<vmem>>, %arg3: memref<8192x64xf32, #tpu.memory_space<vmem>>, %arg4: memref<1x64x64xf32, #tpu.memory_space<vmem>>, %arg5: memref<1x64x64xf32, #tpu.memory_space<vmem>>, %arg6: memref<1x64x64xf32, #tpu.memory_space<vmem>>) attributes {dimension_semantics = [#tpu.dimension_semantics<arbitrary>], iteration_bounds = array<i64: 24>, scalar_prefetch = 0 : i64, scratch_operands = 0 : i64, tpu.core_type = #tpu.core_type<tc>, window_params = [{transform_indices = @transform_0, window_bounds = array<i64: 1, 64, 8192>}, {transform_indices = @transform_1, window_bounds = array<i64: 1, 64, 8192>}, {pipeline_mode = #tpu.pipeline_mode<synchronous>, transform_indices = @transform_2, window_bounds = array<i64: 8192, 64>}, {transform_indices = @transform_3, window_bounds = array<i64: 1, 64, 64>}, {transform_indices = @transform_4, window_bounds = array<i64: 1, 64, 64>}, {transform_indices = @transform_5, window_bounds = array<i64: 1, 64, 64>}]} {
    %get3A = arith.constant 0 : index
    %get3A_0 = arith.constant 0 : index
    %get3A_1 = vector.load %arg3[%get3A, %get3A_0] : memref<8192x64xf32, #tpu.memory_space<vmem>>, vector<8192x64xf32>
    %get3A_2 = arith.constant 0 : index
    %get3A_3 = arith.constant 0 : index
    %get3A_4 = arith.constant 0 : index
    %get3A_5 = vector.load %arg1[%get3A_2, %get3A_3, %get3A_4] : memref<1x64x8192xf32, #tpu.memory_space<vmem>>, vector<1x64x8192xf32>
    %get3A_6 = vector.shape_cast %get3A_5 : vector<1x64x8192xf32> to vector<64x8192xf32>
    %dot_general3A = arith.constant dense<0.000000e+00> : vector<64x64xf32>
    %dot_general3A_7 = tpu.matmul %get3A_6, %get3A_1, %dot_general3A {dimension_numbers = #tpu.dot_dimension_numbers<[1], [0], [0], [1], [0, 0, 1, 1], [], []>, transpose_lhs_hint = false} : vector<64x8192xf32>, vector<8192x64xf32>, vector<64x64xf32> -> vector<64x64xf32>
    %get3A_8 = arith.constant 0 : index
    %get3A_9 = arith.constant 0 : index
    %get3A_10 = arith.constant 0 : index
    %get3A_11 = vector.load %arg4[%get3A_8, %get3A_9, %get3A_10] : memref<1x64x64xf32, #tpu.memory_space<vmem>>, vector<1x64x64xf32>
    %get3A_12 = vector.shape_cast %get3A_11 : vector<1x64x64xf32> to vector<64x64xf32>
    %add3A = arith.addf %dot_general3A_7, %get3A_12 : vector<64x64xf32>
    %get3A_13 = arith.constant 0 : index
    %get3A_14 = arith.constant 0 : index
    %get3A_15 = arith.constant 0 : index
    %get3A_16 = vector.load %arg2[%get3A_13, %get3A_14, %get3A_15] : memref<1x64x8192xf32, #tpu.memory_space<vmem>>, vector<1x64x8192xf32>
    %get3A_17 = vector.shape_cast %get3A_16 : vector<1x64x8192xf32> to vector<64x8192xf32>
    %dot_general3A_18 = arith.constant dense<0.000000e+00> : vector<64x64xf32>
    %dot_general3A_19 = tpu.matmul %get3A_17, %get3A_1, %dot_general3A_18 {dimension_numbers = #tpu.dot_dimension_numbers<[1], [0], [0], [1], [0, 0, 1, 1], [], []>, transpose_lhs_hint = false} : vector<64x8192xf32>, vector<8192x64xf32>, vector<64x64xf32> -> vector<64x64xf32>
    %get3A_20 = arith.constant 0 : index
    %get3A_21 = arith.constant 0 : index
    %get3A_22 = arith.constant 0 : index
    %get3A_23 = vector.load %arg5[%get3A_20, %get3A_21, %get3A_22] : memref<1x64x64xf32, #tpu.memory_space<vmem>>, vector<1x64x64xf32>
    %get3A_24 = vector.shape_cast %get3A_23 : vector<1x64x64xf32> to vector<64x64xf32>
    %add3A_25 = arith.addf %dot_general3A_19, %get3A_24 : vector<64x64xf32>
    %dot_general3A_26 = arith.constant dense<0.000000e+00> : vector<64x64xf32>
    %dot_general3A_27 = tpu.matmul %add3A, %add3A_25, %dot_general3A_26 {dimension_numbers = #tpu.dot_dimension_numbers<[0], [0], [1], [1], [0, 1, 1, 1], [], []>, transpose_lhs_hint = false} : vector<64x64xf32>, vector<64x64xf32>, vector<64x64xf32> -> vector<64x64xf32>
    %reduce_max3A = arith.constant dense<0xFF800000> : vector<64xf32>
    %reduce_max3A_28 = vector.multi_reduction <maximumf>, %dot_general3A_27, %reduce_max3A [1] : vector<64x64xf32> to vector<64xf32>
    %broadcast_in_dim3A = vector.shape_cast %reduce_max3A_28 : vector<64xf32> to vector<64x1xf32>
    %sub3A = vector.broadcast %broadcast_in_dim3A : vector<64x1xf32> to vector<64x64xf32>
    %sub3A_29 = arith.subf %dot_general3A_27, %sub3A : vector<64x64xf32>
    %exp3A = math.exp %sub3A_29 : vector<64x64xf32>
    %reduce_sum3A = arith.constant dense<0.000000e+00> : vector<64xf32>
    %reduce_sum3A_30 = vector.multi_reduction <add>, %exp3A, %reduce_sum3A [1] : vector<64x64xf32> to vector<64xf32>
    %broadcast_in_dim3A_31 = vector.shape_cast %reduce_sum3A_30 : vector<64xf32> to vector<64x1xf32>
    %div3A = vector.broadcast %broadcast_in_dim3A_31 : vector<64x1xf32> to vector<64x64xf32>
    %div3A_32 = arith.divf %exp3A, %div3A : vector<64x64xf32>
    %swap3A = arith.constant 0 : index
    %swap3A_33 = arith.constant 0 : index
    %swap3A_34 = arith.constant 0 : index
    %swap3A_35 = vector.load %arg6[%swap3A, %swap3A_33, %swap3A_34] : memref<1x64x64xf32, #tpu.memory_space<vmem>>, vector<1x64x64xf32>
    %swap3A_36 = vector.shape_cast %swap3A_35 : vector<1x64x64xf32> to vector<64x64xf32>
    %swap3A_37 = vector.shape_cast %div3A_32 : vector<64x64xf32> to vector<1x64x64xf32>
    tpu.vector_store %arg6[%swap3A, %swap3A_33, %swap3A_34], %swap3A_37 {strides = array<i32>} : memref<1x64x64xf32, #tpu.memory_space<vmem>>, vector<1x64x64xf32>,
    return
  }
  func.func @transform_0(%arg0: i32) -> (i32, i32, i32) {
    %c0_i32 = arith.constant 0 : i32
    %c0_i32_0 = arith.constant 0 : i32
    %c0_i32_1 = arith.constant 0 : i32
    return %arg0, %c0_i32, %c0_i32_0 : i32, i32, i32
  }
  func.func @transform_1(%arg0: i32) -> (i32, i32, i32) {
    %c0_i32 = arith.constant 0 : i32
    %c0_i32_0 = arith.constant 0 : i32
    %c0_i32_1 = arith.constant 0 : i32
    return %arg0, %c0_i32, %c0_i32_0 : i32, i32, i32
  }
  func.func @transform_2(%arg0: i32) -> (i32, i32) {
    %c0_i32 = arith.constant 0 : i32
    %c0_i32_0 = arith.constant 0 : i32
    %c0_i32_1 = arith.constant 0 : i32
    return %c0_i32, %c0_i32_0 : i32, i32
  }
  func.func @transform_3(%arg0: i32) -> (i32, i32, i32) {
    %jit3A = arith.constant 16 : i32
    %eq3A = arith.constant 0 : i32
    %eq3A_0 = arith.cmpi eq, %jit3A, %eq3A : i32
    %jit3A_1 = arith.constant 1 : i32
    %select_n3A = arith.select %eq3A_0, %jit3A_1, %jit3A : i32
    %rem3A = arith.remsi %arg0, %select_n3A : i32
    %ne3A = arith.constant 0 : i32
    %ne3A_2 = arith.cmpi ne, %rem3A, %ne3A : i32
    %lt3A = arith.constant 0 : i32
    %lt3A_3 = arith.cmpi slt, %rem3A, %lt3A : i32
    %lt3A_4 = arith.constant 0 : i32
    %lt3A_5 = arith.cmpi slt, %select_n3A, %lt3A_4 : i32
    %ne3A_6 = arith.xori %lt3A_3, %lt3A_5 : i1
    %and3A = arith.andi %ne3A_6, %ne3A_2 : i1
    %add3A = arith.addi %rem3A, %select_n3A : i32
    %select_n3A_7 = arith.select %and3A, %add3A, %rem3A : i32
    %c0_i32 = arith.constant 0 : i32
    %c0_i32_8 = arith.constant 0 : i32
    %c0_i32_9 = arith.constant 0 : i32
    return %select_n3A_7, %c0_i32, %c0_i32_8 : i32, i32, i32
  }
  func.func @transform_4(%arg0: i32) -> (i32, i32, i32) {
    %jit3A = arith.constant 16 : i32
    %eq3A = arith.constant 0 : i32
    %eq3A_0 = arith.cmpi eq, %jit3A, %eq3A : i32
    %jit3A_1 = arith.constant 1 : i32
    %select_n3A = arith.select %eq3A_0, %jit3A_1, %jit3A : i32
    %rem3A = arith.remsi %arg0, %select_n3A : i32
    %ne3A = arith.constant 0 : i32
    %ne3A_2 = arith.cmpi ne, %rem3A, %ne3A : i32
    %lt3A = arith.constant 0 : i32
    %lt3A_3 = arith.cmpi slt, %rem3A, %lt3A : i32
    %lt3A_4 = arith.constant 0 : i32
    %lt3A_5 = arith.cmpi slt, %select_n3A, %lt3A_4 : i32
    %ne3A_6 = arith.xori %lt3A_3, %lt3A_5 : i1
    %and3A = arith.andi %ne3A_6, %ne3A_2 : i1
    %add3A = arith.addi %rem3A, %select_n3A : i32
    %select_n3A_7 = arith.select %and3A, %add3A, %rem3A : i32
    %c0_i32 = arith.constant 0 : i32
    %c0_i32_8 = arith.constant 0 : i32
    %c0_i32_9 = arith.constant 0 : i32
    return %select_n3A_7, %c0_i32, %c0_i32_8 : i32, i32, i32
  }
  func.func @transform_5(%arg0: i32) -> (i32, i32, i32) {
    %c0_i32 = arith.constant 0 : i32
    %c0_i32_0 = arith.constant 0 : i32
    %c0_i32_1 = arith.constant 0 : i32
    return %arg0, %c0_i32, %c0_i32_0 : i32, i32, i32
  }
}

</mosaic_0001>

<sc_bundles>
// kernel: kernel.5.cloned.1.call-start
scs
__scs_entry_jumppad:
0x0: {  	(pc) =	sbr.rel $0x88, $3  }
0x1: {  	(tag) =	ssettag $0x0;
	lr =	simm.s32 $0x1  }
0x2: {  	[smem:$0x3F9D] =	sst lr;
	_ =	strace $0xD0000000  }
0x3: {  	_ = 	snop  }
0x4: {  	_ = 	snop  }
0x5: {  	_ = 	snop  }
0x6: {  	_ = 	snop  }
0x7: {  	_ = 	snop  }
__scs_overlays_trampoline_lowered:
0x8: {  	[smem:$0x3FAC] =	sst s0  }
0x9: {  	[smem:$0x3FAD] =	sst s1  }
0xa: {  	[smem:$0x3FAE] =	sst s2  }
0xb: {  	[smem:$0x3FAF] =	sst s3  }
0xc: {  	[smem:$0x3FB0] =	sst s4  }
0xd: {  	[smem:$0x3FB1] =	sst s5  }
0xe: {  	[smem:$0x3FB2] =	sst s6  }
0xf: {  	[smem:$0x3FB3] =	sst s7  }
0x10: {  	[smem:$0x3FB4] =	sst s8  }
0x11: {  	[smem:$0x3FB5] =	sst s9;
	s0 =	simm.s32 @!p0 $0x0  }
0x12: {  	s1 =	sld [smem:$0x3F9B];
	s0 =	simm.s32 @p0 $0x1  }
0x13: {  	[smem:$0x3FB6] =	sst s0;
	s0 =	simm.s32 @!p1 $0x0  }
0x14: {  	s2 =	sld [smem:$0x3F9A];
	s0 =	simm.s32 @p1 $0x1  }
0x15: {  	[smem:$0x3FB7] =	sst s0;
	s0 =	simm.s32 @!p2 $0x0  }
0x16: {  	s3 =	sld [smem:$0x3FDB];
	s0 =	simm.s32 @p2 $0x1  }
0x17: {  	s4 =	simm.s32 $0x1BF5;
	[smem:$0x3FB9] =	sst s0  }
0x18: {  	s0 =	sld [smem:$0x3F9C];
	_ =	swait.ge [sflag:s4], $0x0  }
0x19: {  	s7 =	sld [smem:$0x3F9D]  }
0x1a: {  	s8 =	sadd.s32 $0xFFFFE003, lr  }
0x1b: {  	s9 =	sadd.s32 $0xFFFFFEF7, lr;
	s5 =	simm.s32 $0xFFFFFFFF;
	p2 =	slt.u32 s8, $0xFFFFF086  }
0x1c: {  	p1 =	slt.u32 s9, $0xF7A;
	s5 =	simm.s32 @!p2 $0x0  }
0x1d: {  	s5 =	simm.s32 @p1 $0x1;
	p0 =	seq.s32 s7, s2  }
0x1e: {  	s7 =	smul.u32 @!p0 $0xF7A, s2;
	p2 =	seq.s32 @!p0 s5, $0x0  }
0x1f: {  	s9 =	smul.u32 $0xF7A, s1;
	s8 =	simm.s32 @!p0 $0x1BF5;
	p2 =	por !p2, p0  }
0x20: {  	[sflag:s8] =	ssyncset.s32 @!p0 $0xFFFFF086;
	s6 =	sadd.s32 @!p0 s3, s7;
	s7 =	simm.s32 @!p0 $0x108  }
0x21: {  	s3 =	sadd.s32 s3, s9;
	s6 =	sadd.s32 @!p0 $0x88, s6;
	s7 =	simm.s32 @p2 $0x1082  }
0x22: {  	[simem:s7], [sflag:s8] =	dma.local @!p0 [hbm:s6], $0xF7A  }
0x23: {  	s9 =	sor.u32 $0xD0000000, s2;
	s6 =	simm.s32 $0x108;
	_ =	swait.ge @!p0 [sflag:s8], $0x0  }
0x24: {  	s3 =	sadd.s32 $0x88, s3;
	s6 =	simm.s32 @!p1 $0x1082;
	[sflag:s4] =	ssyncset.s32 $0xFFFFF086  }
0x25: {  	[simem:s6], [sflag:s4] =	dma.local [hbm:s3], $0xF7A  }
0x26: {  	[smem:$0x3F9D] =	sst s1;
	(tag) =	ssettag s2;
	_ =	strace s9  }
0x27: {  	s1 =	sld [smem:$0x3FAD]  }
0x28: {  	s2 =	sld [smem:$0x3FAE]  }
0x29: {  	s4 =	sld [smem:$0x3FB0]  }
0x2a: {  	p0 =	seq.s32 s5, $0x0;
	s5 =	sld [smem:$0x3FB1]  }
0x2b: {  	s6 =	sld [smem:$0x3FB2]  }
0x2c: {  	s7 =	sld [smem:$0x3FB3]  }
0x2d: {  	s3 =	simm.s32 $0x108;
	s8 =	sld [smem:$0x3FB4]  }
0x2e: {  	s3 =	simm.s32 @!p0 $0x1082;
	s9 =	sld [smem:$0x3FB5]  }
0x2f: {  	lr =	sadd.s32 s0, s3;
	s0 =	sld [smem:$0x3FAC]  }
0x30: {  	s3 =	sld [smem:$0x3FAF]  }
0x31: {  	[smem:$0x3FB8] =	sst s10  }
0x32: {  	s10 =	sld [smem:$0x3FB6];
	_ =	sdelay $0x3  }
0x33: {  	p0 =	seq.s32 s10, $0x1;
	s10 =	sld [smem:$0x3FB8];
	_ =	sdelay $0x3  }
0x34: {  	[smem:$0x3FB8] =	sst s10  }
0x35: {  	s10 =	sld [smem:$0x3FB7];
	_ =	sdelay $0x3  }
0x36: {  	p1 =	seq.s32 s10, $0x1;
	s10 =	sld [smem:$0x3FB8];
	_ =	sdelay $0x3  }
0x37: {  	[smem:$0x3FB8] =	sst s10  }
0x38: {  	s10 =	sld [smem:$0x3FB9]  }
0x39: {  	_ = 	snop;
	(pc) =	sbr.ind lr, $3  }
0x3a: {  	_ = 	snop  }
0x3b: {  	_ = 	snop  }
0x3c: {  	p2 =	seq.s32 s10, $0x1;
	s10 =	sld [smem:$0x3FB8]  }
0x3d: {  	_ =	shalt  }
0x3e: {  	_ =	shalt  }
0x3f: {  	_ =	shalt  }
0x40: {  	_ =	shalt  }
0x41: {  	_ =	shalt  }
0x42: {  	_ =	shalt  }
0x43: {  	_ =	shalt  }
0x44: {  	_ =	shalt  }
0x45: {  	_ =	shalt  }
0x46: {  	_ =	shalt  }
0x47: {  	_ =	shalt  }
0x48: {  	_ =	shalt  }
0x49: {  	_ =	shalt  }
0x4a: {  	_ =	shalt  }
0x4b: {  	_ =	shalt  }
0x4c: {  	_ =	shalt  }
0x4d: {  	_ =	shalt  }
0x4e: {  	_ =	shalt  }
0x4f: {  	_ =	shalt  }
0x50: {  	_ =	shalt  }
0x51: {  	_ =	shalt  }
0x52: {  	_ =	shalt  }
0x53: {  	_ =	shalt  }
0x54: {  	_ =	shalt  }
0x55: {  	_ =	shalt  }
0x56: {  	_ =	shalt  }
0x57: {  	_ =	shalt  }
0x58: {  	_ =	shalt  }
0x59: {  	_ =	shalt  }
0x5a: {  	_ =	shalt  }
0x5b: {  	_ =	shalt  }
0x5c: {  	_ =	shalt  }
0x5d: {  	_ =	shalt  }
0x5e: {  	_ =	shalt  }
0x5f: {  	_ =	shalt  }
0x60: {  	_ =	shalt  }
0x61: {  	_ =	shalt  }
0x62: {  	_ =	shalt  }
0x63: {  	_ =	shalt  }
0x64: {  	_ =	shalt  }
0x65: {  	_ =	shalt  }
0x66: {  	_ =	shalt  }
0x67: {  	_ =	shalt  }
0x68: {  	_ =	shalt  }
0x69: {  	_ =	shalt  }
0x6a: {  	_ =	shalt  }
0x6b: {  	_ =	shalt  }
0x6c: {  	_ =	shalt  }
0x6d: {  	_ =	shalt  }
0x6e: {  	_ =	shalt  }
0x6f: {  	_ =	shalt  }
0x70: {  	_ =	shalt  }
0x71: {  	_ =	shalt  }
0x72: {  	_ =	shalt  }
0x73: {  	_ =	shalt  }
0x74: {  	_ =	shalt  }
0x75: {  	_ =	shalt  }
0x76: {  	_ =	shalt  }
0x77: {  	_ =	shalt  }
0x78: {  	_ =	shalt  }
0x79: {  	_ =	shalt  }
0x7a: {  	_ =	shalt  }
0x7b: {  	_ =	shalt  }
0x7c: {  	_ =	shalt  }
0x7d: {  	_ =	shalt  }
0x7e: {  	_ =	shalt  }
0x7f: {  	_ =	shalt  }
0x80: {  	_ =	shalt  }
0x81: {  	_ =	shalt  }
0x82: {  	_ =	shalt  }
0x83: {  	_ =	shalt  }
0x84: {  	_ =	shalt  }
0x85: {  	_ =	shalt  }
0x86: {  	_ =	shalt  }
0x87: {  	_ =	shalt  }
.Lfunc_end0:
.L_simem_size_0:
called_computation_lowered:
.L_overlay_start_0:
0x88: {  	s2 =	sld [smem:$0x3FD9]  }
0x89: {  	s3 =	sld [smem:$0x3FFE];
	_ =	sdelay $0x1  }
0x8a: {  	s1 =	srdreg.scid  }
0x8b: {  	s0 =	sand.u32 $0x1, s1  }
0x8c: {  	s17 =	sshll.u32 s0, $0xA;
	s2 =	sadd.s32 s3, s2  }
0x8d: {  	s2 =	sadd.s32 s2, s17  }
0x8e: {  	[smem:$0x3FC4] =	sst s2  }
0x8f: {  	_ = 	snop  }
0x90: {  	s2 =	sld [smem:$0x3FC9]  }
0x91: {  	s18 =	sld [smem:$0x3FC8];
	(tm) =	ssettm $0x1  }
0x92: {  	s4 =	sld [smem:$0x3FFB];
	_ =	sdelay $0x3  }
0x93: {  	_ =	strace s4  }
0x94: {  	s4 =	sld [smem:$0x3FFC];
	_ =	sdelay $0x3  }
0x95: {  	_ =	strace s4  }
0x96: {  	s4 =	sld [smem:$0x3FFD];
	_ =	sdelay $0x3  }
0x97: {  	_ =	strace s4  }
0x98: {  	_ =	strace $0x8FFFFFFF  }
0x99: {  	s19 =	sld [smem:$0x3FDB];
	_ =	sdelay $0x1  }
0x9a: {  	s5 =	simm.s32 $_scs_section_size  }
0x9b: {  	s6 =	simm.s32 $_size__tile_overlayer_lowered;
	s7 =	simm.s32 $_tile_overlayer_lowered  }
0x9c: {  	s22 =	simm.s32 $0x1BFF;
	s21 =	sshll.u32 s7, $0x1;
	s4 =	sadd.s32 s5, s19  }
0x9d: {  	s8 =	simm.s32 $0x0;
	s20 =	sshll.u32 s6, $0x1;
	s6 =	sadd.s32 s21, s4  }
0x9e: {  	[timem:s8], [sflag:s22] =	dma.local [hbm:s6], s20  }
0x9f: {  	_ =	swait.ge [sflag:s22], s20  }
0xa0: {  	s5 =	ssub.s32 $0x0, s20;
	[sflag:s22] =	ssyncset.done $0x0  }
0xa1: {  	[sflag:s22] =	ssyncadd.s32 s5;
	_ =	sdelay $0x1  }
0xa2: {  	s23 =	simm.s32 $0x1B8B  }
0xa3: {  	_ =	swait.ge [sflag:s23], $0x1  }
0xa4: {  	[sflag:s23] =	ssyncset.done $0x0  }
0xa5: {  	s25 =	simm.s32 $0x1B8E;
	s24 =	sld [smem:$0x3FFE];
	[sflag:s23] =	ssyncadd.s32 $0xFFFFFFFF  }
0xa6: {  	s26 =	simm.s32 $execute0_lowered;
	[smem:$0x3FD2] =	sst s25  }
0xa7: {  	s6 =	sshll.u32 s26, $0x1;
	_ =	strace $0x80000046;
	[dreg:$0x1] =	wrdreg $0xFFFFFFFF  }
0xa8: {  	s28 =	simm.s32 $_size_execute0_lowered;
	s4 =	sadd.s32 s4, s6;
	[dreg:$0x0] =	wrdreg $0x0  }
0xa9: {  	s6 =	sshll.u32 s28, $0x1;
	[dreg:$0x2] =	wrdreg s4  }
0xaa: {  	[dreg:$0x3] =	wrdreg s6  }
0xab: {  	[dreg:$0x4] =	wrdreg $0xC0  }
0xac: {  	_ =	task [dreg:s8], $0x5FFFF  }
0xad: {  	[dreg:$0x1] =	wrdreg $0xFFFFFFFF  }
0xae: {  	[dreg:$0x0] =	wrdreg $0x60  }
0xaf: {  	[dreg:$0x2] =	wrdreg s2  }
0xb0: {  	[dreg:$0x3] =	wrdreg s18  }
0xb1: {  	[dreg:$0x4] =	wrdreg s24  }
0xb2: {  	[dreg:$0x5] =	wrdreg $0x9  }
0xb3: {  	_ =	task.clear_ibuf [dreg:s8], $0x6FFFF;
	_ =	strace $0x90000046  }
0xb4: {  	s29 =	simm.s32 $0x9;
	_ =	strace $0x80000048  }
0xb5: {  	_ =	swait.ge [sflag:s29], $0x1  }
0xb6: {  	[sflag:s29] =	ssyncadd.s32 $0xFFFFFFFF  }
0xb7: {  	_ =	strace $0x90000048  }
0xb8: {  	_ =	sfence  }
0xb9: {  	s30 =	sld [smem:$0x0];
	_ =	sdelay $0x2  }
0xba: {  	s31 =	sshll.u32 s1, $0xD;
	s1 =	sshrl.u32 s1, $0x2  }
0xbb: {  	s3 =	sand.u32 $0x4000, s31;
	s1 =	sadd.s32 s1, s30  }
0xbc: {  	s0 =	sor.u32 s3, s0;
	s1 =	sshll.u32 s1, $0x11  }
0xbd: {  	s0 =	sor.u32 s1, s0  }
0xbe: {  	s0 =	sadd.s32 $0x8F2B, s0  }
0xbf: {  	[sflag:s0] =	ssyncadd.remote.s32 $0x1  }
0xc0: {  	_ =	sfence.sel $0xFFFF  }
0xc1: {  	[dreg:$0x0] =	wrdreg $0xFFFFFFFF;
	(pc) =	sbr.abs _section_cstart, $3  }
0xc2: {  	[dreg:$0x1] =	wrdreg $0xFFFFFFFF  }
0xc3: {  	_ =	task.clear_ibuf [dreg:s8], $0x2FFFF;
	_ =	strace $0x9FFFFFFF  }
0xc4: {  	(tm) =	ssettm $0x7FFFFFFF  }
0xc5: {  	_ =	shalt  }
tec
execute0_lowered:
.L_overlay_start_1:
0x0: {  	(tag) =	ssettag $0x1  }
0x1: {  	s1 =	rddreg [dreg:$0x0]  }
0x2: {  	s2 =	rddreg [dreg:$0x1]  }
0x3: {  	s0 =	rddreg [dreg:$0x2];
	s28 =	simm.s32 $0x0  }
0x4: {  	s7 =	stileid.u32;
	s4 =	srdreg.scid;
	s19 =	simm.s32 $0x400  }
0x5: {  	s20 =	simm.s32 $0x10000;
	s21 =	simm.s32 $0x2000;
	s22 =	simm.s32 $0x1  }
0x6: {  	s23 =	simm.s32 $0x2;
	[smem:$0x7FF] =	sst s28;
	s3 =	sadd.s32 $0xE00, s0  }
0x7: {  	s5 =	sshll.u32 s7, $0x1;
	s0 =	sadd.s32 $0x10E00, s0;
	s4 =	sand.u32 $0x1, s4  }
0x8: {  	s7 =	sshrl.u32 s7, $0x1;
	_ =	strace $0x80000047;
	s5 =	sand.u32 $0x2, s5  }
0x9: {  	s6 =	ssub.s32 $0x2, s4;
	s8 =	sshll.u32 s7, $0x13;
	s25 =	sshll.u32 s7, $0x10  }
0xa: {  	s4 =	sor.u32 s4, s5;
	s24 =	sshrl.u32 s6, $0x1;
	s5 =	sor.u32 $0xC00000, s8  }
0xb: {  	s9 =	sshll.u32 s4, $0xE;
	s6 =	ssub.s32 s6, s24;
	s4 =	sshll.u32 s4, $0x4  }
0xc: {  	s24 =	simm.s32 $0x4000;
	s8 =	sor.u32 s9, s8;
	s10 =	sor.u32 s5, s9  }
0xd: {  	s30 =	sor.u32 s25, s9;
	s9 =	sor.u32 $0x3, s4;
	s11 =	sor.u32 $0xA, s4  }
0xe: {  	s12 =	sor.u32 $0xB, s4;
	s18 =	smax.u32 s6, $0x1;
	s25 =	simm.s32 $0x3  }
0xf: {  	s8 =	sshrl.u32 s8, $0x3;
	s14 =	sshrl.u32 s10, $0x3;
	s16 =	sshrl.u32 s30, $0x3  }
0x10: {  	s15 =	sor.u32 $0x180080, s8;
	s26 =	sadd.s32 s1, s14;
	s8 =	sor.u32 $0x2, s4  }
0x11: {  	s31 =	sadd.s32 s3, s16;
	s17 =	sor.u32 $0x400, s16;
	s14 =	sadd.s32 s2, s14  }
0x12: {  	s16 =	sadd.s32 s0, s16;
	[dreg:$0x4] =	wrdreg s26;
	s29 =	sadd.s32 s1, s15  }
0x13: {  	[dreg:$0x6] =	wrdreg s31;
	s13 =	sadd.s32 s3, s17;
	s15 =	sadd.s32 s2, s15  }
0x14: {  	s17 =	sadd.s32 s0, s17;
	s26 =	simm.s32 $0x0;
	[dreg:$0x5] =	wrdreg s29  }
.LBB2_1:
0x15: {  	s0 =	rddreg [dreg:$0x4]  }
0x16: {  	[tilespmem:s28], [sflag:$0x1] =	stream.strided.gather [hbm4b:s0+s19], $0x2000, s20, s19, $0x38;
	[tilespmem:$0x6000] =	vst v63  }
0x17: {  	s31 =	rddreg [dreg:$0x5];
	s28 =	simm.s32 $0x0  }
0x18: {  	[tilespmem:s21], [sflag:$0x2] =	stream.strided.gather [hbm4b:s31+s19], $0x2000, s20, s19, $0x38;
	[tilespmem:$0x6000] =	vst v63  }
.LBB2_2:
0x19: {  	_ =	swait.ge [sflag:s22], $0x2000  }
0x1a: {  	[sflag:s22] =	ssyncset.done $0x0  }
0x1b: {  	s0 =	simm.s32 $0x80;
	[sflag:s22] =	ssyncadd.s32 $0xFFFFE000  }
0x1c: {  	v0 =	vld [tilespmem:s0+$0xFFFFFF80]  }
0x1d: {  	v1 =	vld [tilespmem:s0+$0xFFFFFFF0]  }
0x1e: {  	v2 =	vld [tilespmem:s0+$0xFFFFFFE0]  }
0x1f: {  	v3 =	vld [tilespmem:s0+$0xFFFFFFD0]  }
0x20: {  	v4 =	vld [tilespmem:s0+$0xFFFFFFC0]  }
0x21: {  	v5 =	vld [tilespmem:s0+$0xFFFFFFB0]  }
0x22: {  	v6 =	vld [tilespmem:s0+$0xFFFFFFA0]  }
0x23: {  	v7 =	vld [tilespmem:s0+$0xFFFFFF90];
	_ =	sdelay $0x3  }
0x24: {  	v1 =	vadd.f32 v1, v2;
	v2 =	vadd.f32 v3, v4  }
0x25: {  	s30 =	sshll.u32 s28, $0x8;
	v3 =	vadd.f32 v5, v6;
	v4 =	vadd.f32 v7, v0  }
0x26: {  	v0 =	vmov s30  }
0x27: {  	s3 =	simm.s32 $0x0;
	v1 =	vadd.f32 v1, v2;
	v2 =	vadd.f32 v3, v4  }
0x28: {  	s4 =	simm.s32 $0x0;
	s6 =	sand.u32 $0x1C00, s3  }
0x29: {  	s29 =	sand.u32 $0x60, s4;
	s4 =	sor.u32 $0x4000, s6;
	v1 =	vadd.f32 v1, v2  }
0x2a: {  	s6 =	sor.u32 s29, s4  }
0x2b: {  	[tilespmem:v0+s6+$0x0 ss:$0x1] =	vst.idx.msk $0xffff, v1  }
0x2c: {  	v6 =	vld [tilespmem:s0+$0x70]  }
0x2d: {  	v3 =	vld [tilespmem:s0+$0x30]  }
0x2e: {  	v7 =	vld [tilespmem:s0+$0x20]  }
0x2f: {  	v8 =	vld [tilespmem:s0+$0x60]  }
0x30: {  	v2 =	vld [tilespmem:s0+$0x50]  }
0x31: {  	v1 =	vld [tilespmem:s0+$0x0]  }
0x32: {  	v4 =	vld [tilespmem:s0+$0x40]  }
0x33: {  	v5 =	vld [tilespmem:s0+$0x10];
	_ =	sdelay $0x2  }
0x34: {  	s31 =	simm.s32 $0x10;
	s29 =	simm.s32 $0x30;
	v3 =	vadd.f32 v3, v7;
	v6 =	vadd.f32 v6, v8  }
.LBB2_3:
0x35: {  	p0 =	sne.s32 s29, $0x3F0;
	v2 =	vadd.f32 v2, v4;
	s3 =	sadd.s32 $0x100, s3;
	s0 =	sadd.s32 $0x100, s0  }
0x36: {  	s6 =	smov.u32 s29;
	s29 =	sadd.s32 $0x20, s29;
	v1 =	vadd.f32 v5, v1  }
0x37: {  	v2 =	vadd.f32 v6, v2  }
0x38: {  	v1 =	vadd.f32 v3, v1  }
0x39: {  	s7 =	sand.u32 $0x70, s31;
	s31 =	smov.u32 s6  }
0x3a: {  	s4 =	sor.u32 s7, s4;
	v1 =	vadd.f32 v2, v1;
	_ =	sdelay $0x1  }
0x3b: {  	[tilespmem:v0+s4+$0x0 ss:$0x1] =	vst.idx.msk $0xffff, v1  }
0x3c: {  	v1 =	vld [tilespmem:s0+$0xFFFFFF80]  }
0x3d: {  	v2 =	vld [tilespmem:s0+$0xFFFFFFF0]  }
0x3e: {  	v3 =	vld [tilespmem:s0+$0xFFFFFFE0]  }
0x3f: {  	v4 =	vld [tilespmem:s0+$0xFFFFFFD0]  }
0x40: {  	v5 =	vld [tilespmem:s0+$0xFFFFFFC0]  }
0x41: {  	v6 =	vld [tilespmem:s0+$0xFFFFFFB0]  }
0x42: {  	v7 =	vld [tilespmem:s0+$0xFFFFFFA0]  }
0x43: {  	v8 =	vld [tilespmem:s0+$0xFFFFFF90];
	v2 =	vadd.f32 v2, v3;
	_ =	sdelay $0x1  }
0x44: {  	v3 =	vadd.f32 v4, v5;
	_ =	sdelay $0x1  }
0x45: {  	v4 =	vadd.f32 v6, v7;
	v2 =	vadd.f32 v2, v3  }
0x46: {  	v1 =	vadd.f32 v8, v1;
	_ =	sdelay $0x1  }
0x47: {  	v1 =	vadd.f32 v4, v1  }
0x48: {  	s6 =	sand.u32 $0x1C00, s3;
	s4 =	sadd.s32 $0xFFFFFFF0, s31  }
0x49: {  	s7 =	sand.u32 $0x60, s4;
	s4 =	sor.u32 $0x4000, s6;
	v1 =	vadd.f32 v2, v1  }
0x4a: {  	s6 =	sor.u32 s7, s4  }
0x4b: {  	[tilespmem:v0+s6+$0x0 ss:$0x1] =	vst.idx.msk $0xffff, v1  }
0x4c: {  	v6 =	vld [tilespmem:s0+$0x70]  }
0x4d: {  	v3 =	vld [tilespmem:s0+$0x30]  }
0x4e: {  	v2 =	vld [tilespmem:s0+$0x50]  }
0x4f: {  	v1 =	vld [tilespmem:s0+$0x0]  }
0x50: {  	v7 =	vld [tilespmem:s0+$0x20]  }
0x51: {  	v8 =	vld [tilespmem:s0+$0x60]  }
.Ltmp0:
0x52: {  	v4 =	vld [tilespmem:s0+$0x40];
	(pc) =	sbr.rel @p0 .LBB2_3-.Ltmp0, $3  }
0x53: {  	v5 =	vld [tilespmem:s0+$0x10];
	_ =	sdelay $0x1  }
0x54: {  	v3 =	vadd.f32 v3, v7  }
0x55: {  	v6 =	vadd.f32 v6, v8  }
0x56: {  	_ = 	snop  }
0x57: {  	v2 =	vadd.f32 v2, v4;
	v1 =	vadd.f32 v5, v1  }
0x58: {  	s29 =	sshll.u32 s28, $0x1  }
0x59: {  	s0 =	sadd.s32 s8, s29;
	v2 =	vadd.f32 v6, v2;
	v1 =	vadd.f32 v3, v1  }
0x5a: {  	s0 =	sshll.u32 s0, $0xA  }
0x5b: {  	s3 =	sand.u32 $0x70, s31;
	s0 =	sadd.s32 s5, s0;
	v1 =	vadd.f32 v2, v1  }
0x5c: {  	s3 =	sor.u32 s3, s4;
	s0 =	sshrl.u32 s0, $0x3  }
0x5d: {  	s31 =	simm.s32 $0x0;
	s0 =	sadd.s32 s1, s0;
	[tilespmem:v0+s3+$0x0 ss:$0x1] =	vst.idx.msk $0xffff, v1  }
0x5e: {  	[tilespmem:s31], [sflag:$0x1] =	stream.strided.gather [hbm4b:s0+s19], $0x2000, s20, s19, $0x38;
	[tilespmem:$0x6000] =	vst v63  }
0x5f: {  	_ =	swait.ge [sflag:s23], $0x2000  }
0x60: {  	[sflag:s23] =	ssyncset.done $0x0  }
0x61: {  	s0 =	simm.s32 $0x2080;
	[sflag:s23] =	ssyncadd.s32 $0xFFFFE000  }
0x62: {  	v0 =	vld [tilespmem:s0+$0xFFFFFF80]  }
0x63: {  	v1 =	vld [tilespmem:s0+$0xFFFFFFF0]  }
0x64: {  	v2 =	vld [tilespmem:s0+$0xFFFFFFE0]  }
0x65: {  	v3 =	vld [tilespmem:s0+$0xFFFFFFD0]  }
0x66: {  	v4 =	vld [tilespmem:s0+$0xFFFFFFC0]  }
0x67: {  	v5 =	vld [tilespmem:s0+$0xFFFFFFB0]  }
0x68: {  	v6 =	vld [tilespmem:s0+$0xFFFFFFA0]  }
0x69: {  	v7 =	vld [tilespmem:s0+$0xFFFFFF90];
	_ =	sdelay $0x3  }
0x6a: {  	v1 =	vadd.f32 v1, v2;
	v2 =	vadd.f32 v3, v4  }
0x6b: {  	s6 =	sor.u32 $0x80, s30;
	v3 =	vadd.f32 v5, v6;
	v4 =	vadd.f32 v7, v0  }
0x6c: {  	v0 =	vmov s6  }
0x6d: {  	v1 =	vadd.f32 v1, v2;
	v2 =	vadd.f32 v3, v4  }
0x6e: {  	s7 =	simm.s32 $0x0;
	s10 =	sand.u32 $0x1C00, s31  }
0x6f: {  	s4 =	sor.u32 $0x4000, s10;
	s3 =	sand.u32 $0x60, s7;
	v1 =	vadd.f32 v1, v2  }
0x70: {  	s3 =	sor.u32 s3, s4  }
0x71: {  	[tilespmem:v0+s3+$0x0 ss:$0x1] =	vst.idx.msk $0xffff, v1  }
0x72: {  	v6 =	vld [tilespmem:s0+$0x70]  }
0x73: {  	v3 =	vld [tilespmem:s0+$0x30]  }
0x74: {  	v7 =	vld [tilespmem:s0+$0x20]  }
0x75: {  	v8 =	vld [tilespmem:s0+$0x60]  }
0x76: {  	v2 =	vld [tilespmem:s0+$0x50]  }
0x77: {  	v1 =	vld [tilespmem:s0+$0x0]  }
0x78: {  	v4 =	vld [tilespmem:s0+$0x40]  }
0x79: {  	v5 =	vld [tilespmem:s0+$0x10];
	_ =	sdelay $0x2  }
0x7a: {  	s30 =	simm.s32 $0x30;
	s3 =	simm.s32 $0x10;
	v3 =	vadd.f32 v3, v7;
	v6 =	vadd.f32 v6, v8  }
.LBB2_5:
0x7b: {  	p0 =	sne.s32 s30, $0x3F0;
	v2 =	vadd.f32 v2, v4;
	s31 =	sadd.s32 $0x100, s31;
	s0 =	sadd.s32 $0x100, s0  }
0x7c: {  	s6 =	smov.u32 s30;
	s30 =	sadd.s32 $0x20, s30;
	v1 =	vadd.f32 v5, v1  }
0x7d: {  	v2 =	vadd.f32 v6, v2  }
0x7e: {  	v1 =	vadd.f32 v3, v1  }
0x7f: {  	s7 =	sand.u32 $0x70, s3;
	s3 =	smov.u32 s6  }
0x80: {  	s4 =	sor.u32 s7, s4;
	v1 =	vadd.f32 v2, v1;
	_ =	sdelay $0x1  }
0x81: {  	[tilespmem:v0+s4+$0x0 ss:$0x1] =	vst.idx.msk $0xffff, v1  }
0x82: {  	v1 =	vld [tilespmem:s0+$0xFFFFFF80]  }
0x83: {  	v2 =	vld [tilespmem:s0+$0xFFFFFFF0]  }
0x84: {  	v3 =	vld [tilespmem:s0+$0xFFFFFFE0]  }
0x85: {  	v4 =	vld [tilespmem:s0+$0xFFFFFFD0]  }
0x86: {  	v5 =	vld [tilespmem:s0+$0xFFFFFFC0]  }
0x87: {  	v6 =	vld [tilespmem:s0+$0xFFFFFFB0]  }
0x88: {  	v7 =	vld [tilespmem:s0+$0xFFFFFFA0]  }
0x89: {  	v8 =	vld [tilespmem:s0+$0xFFFFFF90];
	v2 =	vadd.f32 v2, v3;
	_ =	sdelay $0x1  }
0x8a: {  	v3 =	vadd.f32 v4, v5;
	_ =	sdelay $0x1  }
0x8b: {  	v4 =	vadd.f32 v6, v7;
	v2 =	vadd.f32 v2, v3  }
0x8c: {  	v1 =	vadd.f32 v8, v1;
	_ =	sdelay $0x1  }
0x8d: {  	v1 =	vadd.f32 v4, v1  }
0x8e: {  	s6 =	sand.u32 $0x1C00, s31;
	s4 =	sadd.s32 $0xFFFFFFF0, s3  }
0x8f: {  	s7 =	sand.u32 $0x60, s4;
	s4 =	sor.u32 $0x4000, s6;
	v1 =	vadd.f32 v2, v1  }
0x90: {  	s6 =	sor.u32 s7, s4  }
0x91: {  	[tilespmem:v0+s6+$0x0 ss:$0x1] =	vst.idx.msk $0xffff, v1  }
0x92: {  	v6 =	vld [tilespmem:s0+$0x70]  }
0x93: {  	v3 =	vld [tilespmem:s0+$0x30]  }
0x94: {  	v2 =	vld [tilespmem:s0+$0x50]  }
0x95: {  	v1 =	vld [tilespmem:s0+$0x0]  }
0x96: {  	v7 =	vld [tilespmem:s0+$0x20]  }
0x97: {  	v8 =	vld [tilespmem:s0+$0x60]  }
.Ltmp1:
0x98: {  	v4 =	vld [tilespmem:s0+$0x40];
	(pc) =	sbr.rel @p0 .LBB2_5-.Ltmp1, $3  }
0x99: {  	v5 =	vld [tilespmem:s0+$0x10];
	_ =	sdelay $0x1  }
0x9a: {  	v3 =	vadd.f32 v3, v7  }
0x9b: {  	v6 =	vadd.f32 v6, v8  }
0x9c: {  	_ = 	snop  }
0x9d: {  	v2 =	vadd.f32 v2, v4;
	v1 =	vadd.f32 v5, v1  }
0x9e: {  	s28 =	sadd.s32 $0x1, s28  }
0x9f: {  	s0 =	sadd.s32 s9, s29;
	p0 =	sne.s32 s28, $0x4;
	v2 =	vadd.f32 v6, v2;
	v1 =	vadd.f32 v3, v1  }
.Ltmp2:
0xa0: {  	s0 =	sshll.u32 s0, $0xA;
	(pc) =	sbr.rel @p0 .LBB2_2-.Ltmp2, $4  }
0xa1: {  	s3 =	sand.u32 $0x70, s3;
	s0 =	sadd.s32 s5, s0;
	v1 =	vadd.f32 v2, v1  }
0xa2: {  	s3 =	sor.u32 s3, s4;
	s0 =	sshrl.u32 s0, $0x3  }
0xa3: {  	s0 =	sadd.s32 s1, s0;
	[tilespmem:v0+s3+$0x0 ss:$0x1] =	vst.idx.msk $0xffff, v1  }
0xa4: {  	[tilespmem:s21], [sflag:$0x2] =	stream.strided.gather [hbm4b:s0+s19], $0x2000, s20, s19, $0x38;
	[tilespmem:$0x6000] =	vst v63  }
0xa5: {  	s28 =	simm.s32 $0x0;
	s0 =	rddreg [dreg:$0x6]  }
0xa6: {  	[hbm4b:s0+s28] =	stream.linear.scatter [tilespmem:s24], [sflag:$0x3], $0x2000, $0x38;
	[tilespmem:$0x6000] =	vst v63  }
0xa7: {  	_ =	swait.ge [sflag:s25], $0x2000  }
0xa8: {  	[sflag:s25] =	ssyncset.done $0x0  }
0xa9: {  	s29 =	simm.s32 $0x0;
	[sflag:s25] =	ssyncadd.s32 $0xFFFFE000  }
.LBB2_8:
0xaa: {  	_ =	swait.ge [sflag:s22], $0x2000  }
0xab: {  	[sflag:s22] =	ssyncset.done $0x0  }
0xac: {  	s0 =	simm.s32 $0x80;
	[sflag:s22] =	ssyncadd.s32 $0xFFFFE000  }
0xad: {  	v0 =	vld [tilespmem:s0+$0xFFFFFF80]  }
0xae: {  	v1 =	vld [tilespmem:s0+$0xFFFFFFF0]  }
0xaf: {  	v2 =	vld [tilespmem:s0+$0xFFFFFFE0]  }
0xb0: {  	v3 =	vld [tilespmem:s0+$0xFFFFFFD0]  }
0xb1: {  	v4 =	vld [tilespmem:s0+$0xFFFFFFC0]  }
0xb2: {  	v5 =	vld [tilespmem:s0+$0xFFFFFFB0]  }
0xb3: {  	v6 =	vld [tilespmem:s0+$0xFFFFFFA0]  }
0xb4: {  	v7 =	vld [tilespmem:s0+$0xFFFFFF90];
	_ =	sdelay $0x3  }
0xb5: {  	v1 =	vadd.f32 v1, v2;
	v2 =	vadd.f32 v3, v4  }
0xb6: {  	s30 =	sshll.u32 s29, $0x8;
	v3 =	vadd.f32 v5, v6;
	v4 =	vadd.f32 v7, v0  }
0xb7: {  	v0 =	vmov s30  }
0xb8: {  	v1 =	vadd.f32 v1, v2;
	v2 =	vadd.f32 v3, v4  }
0xb9: {  	s3 =	simm.s32 $0x0;
	s4 =	sand.u32 $0x1C00, s28  }
0xba: {  	s3 =	sand.u32 $0x60, s3;
	s6 =	sor.u32 $0x4000, s4;
	v1 =	vadd.f32 v1, v2  }
0xbb: {  	s3 =	sor.u32 s3, s6  }
0xbc: {  	[tilespmem:v0+s3+$0x0 ss:$0x1] =	vst.idx.msk $0xffff, v1  }
0xbd: {  	v6 =	vld [tilespmem:s0+$0x70]  }
0xbe: {  	v3 =	vld [tilespmem:s0+$0x30]  }
0xbf: {  	v7 =	vld [tilespmem:s0+$0x20]  }
0xc0: {  	v8 =	vld [tilespmem:s0+$0x60]  }
0xc1: {  	v2 =	vld [tilespmem:s0+$0x50]  }
0xc2: {  	v1 =	vld [tilespmem:s0+$0x0]  }
0xc3: {  	v4 =	vld [tilespmem:s0+$0x40]  }
0xc4: {  	v5 =	vld [tilespmem:s0+$0x10];
	_ =	sdelay $0x2  }
0xc5: {  	s31 =	simm.s32 $0x30;
	s4 =	simm.s32 $0x0;
	s3 =	simm.s32 $0x10;
	v3 =	vadd.f32 v3, v7;
	v6 =	vadd.f32 v6, v8  }
.LBB2_9:
0xc6: {  	p0 =	sne.s32 s31, $0x3F0;
	v2 =	vadd.f32 v2, v4;
	s4 =	sadd.s32 $0x100, s4;
	s0 =	sadd.s32 $0x100, s0  }
0xc7: {  	s7 =	smov.u32 s31;
	s31 =	sadd.s32 $0x20, s31;
	v1 =	vadd.f32 v5, v1  }
0xc8: {  	v2 =	vadd.f32 v6, v2  }
0xc9: {  	v1 =	vadd.f32 v3, v1  }
0xca: {  	s10 =	sand.u32 $0x70, s3;
	s3 =	smov.u32 s7  }
0xcb: {  	s6 =	sor.u32 s10, s6;
	v1 =	vadd.f32 v2, v1;
	_ =	sdelay $0x1  }
0xcc: {  	[tilespmem:v0+s6+$0x0 ss:$0x1] =	vst.idx.msk $0xffff, v1  }
0xcd: {  	v1 =	vld [tilespmem:s0+$0xFFFFFF80]  }
0xce: {  	v2 =	vld [tilespmem:s0+$0xFFFFFFF0]  }
0xcf: {  	v3 =	vld [tilespmem:s0+$0xFFFFFFE0]  }
0xd0: {  	v4 =	vld [tilespmem:s0+$0xFFFFFFD0]  }
0xd1: {  	v5 =	vld [tilespmem:s0+$0xFFFFFFC0]  }
0xd2: {  	v6 =	vld [tilespmem:s0+$0xFFFFFFB0]  }
0xd3: {  	v7 =	vld [tilespmem:s0+$0xFFFFFFA0]  }
0xd4: {  	v8 =	vld [tilespmem:s0+$0xFFFFFF90];
	v2 =	vadd.f32 v2, v3;
	_ =	sdelay $0x1  }
0xd5: {  	v3 =	vadd.f32 v4, v5;
	_ =	sdelay $0x1  }
0xd6: {  	v4 =	vadd.f32 v6, v7;
	v2 =	vadd.f32 v2, v3  }
0xd7: {  	v1 =	vadd.f32 v8, v1;
	_ =	sdelay $0x1  }
0xd8: {  	v1 =	vadd.f32 v4, v1  }
0xd9: {  	s7 =	sand.u32 $0x1C00, s4;
	s6 =	sadd.s32 $0xFFFFFFF0, s3  }
0xda: {  	s10 =	sand.u32 $0x60, s6;
	s6 =	sor.u32 $0x4000, s7;
	v1 =	vadd.f32 v2, v1  }
0xdb: {  	s7 =	sor.u32 s10, s6  }
0xdc: {  	[tilespmem:v0+s7+$0x0 ss:$0x1] =	vst.idx.msk $0xffff, v1  }
0xdd: {  	v6 =	vld [tilespmem:s0+$0x70]  }
0xde: {  	v3 =	vld [tilespmem:s0+$0x30]  }
0xdf: {  	v2 =	vld [tilespmem:s0+$0x50]  }
0xe0: {  	v1 =	vld [tilespmem:s0+$0x0]  }
0xe1: {  	v7 =	vld [tilespmem:s0+$0x20]  }
0xe2: {  	v8 =	vld [tilespmem:s0+$0x60]  }
.Ltmp3:
0xe3: {  	v4 =	vld [tilespmem:s0+$0x40];
	(pc) =	sbr.rel @p0 .LBB2_9-.Ltmp3, $3  }
0xe4: {  	v5 =	vld [tilespmem:s0+$0x10];
	_ =	sdelay $0x1  }
0xe5: {  	v3 =	vadd.f32 v3, v7  }
0xe6: {  	v6 =	vadd.f32 v6, v8  }
0xe7: {  	_ = 	snop  }
0xe8: {  	v2 =	vadd.f32 v2, v4;
	s31 =	sshll.u32 s29, $0x1;
	v1 =	vadd.f32 v5, v1  }
0xe9: {  	s0 =	smin.u32 s31, $0x5  }
0xea: {  	v2 =	vadd.f32 v6, v2;
	s0 =	sadd.s32 s0, s11;
	v1 =	vadd.f32 v3, v1  }
0xeb: {  	s0 =	sshll.u32 s0, $0xA  }
0xec: {  	s3 =	sand.u32 $0x70, s3;
	s0 =	sor.u32 s5, s0;
	v1 =	vadd.f32 v2, v1  }
0xed: {  	s3 =	sor.u32 s3, s6;
	s0 =	sshrl.u32 s0, $0x3  }
0xee: {  	s6 =	sadd.s32 s1, s0;
	s0 =	simm.s32 $0x0;
	[tilespmem:v0+s3+$0x0 ss:$0x1] =	vst.idx.msk $0xffff, v1  }
0xef: {  	[tilespmem:s0], [sflag:$0x1] =	stream.strided.gather [hbm4b:s6+s19], $0x2000, s20, s19, $0x38;
	[tilespmem:$0x6000] =	vst v63  }
0xf0: {  	_ =	swait.ge [sflag:s23], $0x2000  }
0xf1: {  	[sflag:s23] =	ssyncset.done $0x0  }
0xf2: {  	s3 =	simm.s32 $0x2080;
	[sflag:s23] =	ssyncadd.s32 $0xFFFFE000  }
0xf3: {  	v0 =	vld [tilespmem:s3+$0xFFFFFF80]  }
0xf4: {  	v1 =	vld [tilespmem:s3+$0xFFFFFFF0]  }
0xf5: {  	v2 =	vld [tilespmem:s3+$0xFFFFFFE0]  }
0xf6: {  	v3 =	vld [tilespmem:s3+$0xFFFFFFD0]  }
0xf7: {  	v4 =	vld [tilespmem:s3+$0xFFFFFFC0]  }
0xf8: {  	v5 =	vld [tilespmem:s3+$0xFFFFFFB0]  }
0xf9: {  	v6 =	vld [tilespmem:s3+$0xFFFFFFA0]  }
0xfa: {  	v7 =	vld [tilespmem:s3+$0xFFFFFF90];
	_ =	sdelay $0x3  }
0xfb: {  	v1 =	vadd.f32 v1, v2;
	v2 =	vadd.f32 v3, v4  }
0xfc: {  	s4 =	sor.u32 $0x80, s30;
	v3 =	vadd.f32 v5, v6;
	v4 =	vadd.f32 v7, v0  }
0xfd: {  	v0 =	vmov s4  }
0xfe: {  	v1 =	vadd.f32 v1, v2;
	v2 =	vadd.f32 v3, v4  }
0xff: {  	s7 =	simm.s32 $0x0;
	s10 =	sand.u32 $0x1C00, s0  }
0x100: {  	s6 =	sor.u32 $0x4000, s10;
	s4 =	sand.u32 $0x60, s7;
	v1 =	vadd.f32 v1, v2  }
0x101: {  	s4 =	sor.u32 s4, s6  }
0x102: {  	[tilespmem:v0+s4+$0x0 ss:$0x1] =	vst.idx.msk $0xffff, v1  }
0x103: {  	v6 =	vld [tilespmem:s3+$0x70]  }
0x104: {  	v3 =	vld [tilespmem:s3+$0x30]  }
0x105: {  	v7 =	vld [tilespmem:s3+$0x20]  }
0x106: {  	v8 =	vld [tilespmem:s3+$0x60]  }
0x107: {  	v2 =	vld [tilespmem:s3+$0x50]  }
0x108: {  	v1 =	vld [tilespmem:s3+$0x0]  }
0x109: {  	v4 =	vld [tilespmem:s3+$0x40]  }
0x10a: {  	v5 =	vld [tilespmem:s3+$0x10];
	_ =	sdelay $0x2  }
0x10b: {  	s30 =	simm.s32 $0x10;
	s4 =	simm.s32 $0x30;
	v3 =	vadd.f32 v3, v7;
	v6 =	vadd.f32 v6, v8  }
.LBB2_11:
0x10c: {  	p0 =	sne.s32 s4, $0x3F0;
	v2 =	vadd.f32 v2, v4;
	s0 =	sadd.s32 $0x100, s0;
	s3 =	sadd.s32 $0x100, s3  }
0x10d: {  	s7 =	smov.u32 s4;
	s4 =	sadd.s32 $0x20, s4;
	v1 =	vadd.f32 v5, v1  }
0x10e: {  	v2 =	vadd.f32 v6, v2  }
0x10f: {  	v1 =	vadd.f32 v3, v1  }
0x110: {  	s10 =	sand.u32 $0x70, s30;
	s30 =	smov.u32 s7  }
0x111: {  	s6 =	sor.u32 s10, s6;
	v1 =	vadd.f32 v2, v1;
	_ =	sdelay $0x1  }
0x112: {  	[tilespmem:v0+s6+$0x0 ss:$0x1] =	vst.idx.msk $0xffff, v1  }
0x113: {  	v1 =	vld [tilespmem:s3+$0xFFFFFF80]  }
0x114: {  	v2 =	vld [tilespmem:s3+$0xFFFFFFF0]  }
0x115: {  	v3 =	vld [tilespmem:s3+$0xFFFFFFE0]  }
0x116: {  	v4 =	vld [tilespmem:s3+$0xFFFFFFD0]  }
0x117: {  	v5 =	vld [tilespmem:s3+$0xFFFFFFC0]  }
0x118: {  	v6 =	vld [tilespmem:s3+$0xFFFFFFB0]  }
0x119: {  	v7 =	vld [tilespmem:s3+$0xFFFFFFA0]  }
0x11a: {  	v8 =	vld [tilespmem:s3+$0xFFFFFF90];
	v2 =	vadd.f32 v2, v3;
	_ =	sdelay $0x1  }
0x11b: {  	v3 =	vadd.f32 v4, v5;
	_ =	sdelay $0x1  }
0x11c: {  	v4 =	vadd.f32 v6, v7;
	v2 =	vadd.f32 v2, v3  }
0x11d: {  	v1 =	vadd.f32 v8, v1;
	_ =	sdelay $0x1  }
0x11e: {  	v1 =	vadd.f32 v4, v1  }
0x11f: {  	s7 =	sand.u32 $0x1C00, s0;
	s6 =	sadd.s32 $0xFFFFFFF0, s30  }
0x120: {  	s10 =	sand.u32 $0x60, s6;
	s6 =	sor.u32 $0x4000, s7;
	v1 =	vadd.f32 v2, v1  }
0x121: {  	s7 =	sor.u32 s10, s6  }
0x122: {  	[tilespmem:v0+s7+$0x0 ss:$0x1] =	vst.idx.msk $0xffff, v1  }
0x123: {  	v6 =	vld [tilespmem:s3+$0x70]  }
0x124: {  	v3 =	vld [tilespmem:s3+$0x30]  }
0x125: {  	v2 =	vld [tilespmem:s3+$0x50]  }
0x126: {  	v1 =	vld [tilespmem:s3+$0x0]  }
0x127: {  	v7 =	vld [tilespmem:s3+$0x20]  }
0x128: {  	v8 =	vld [tilespmem:s3+$0x60]  }
.Ltmp4:
0x129: {  	v4 =	vld [tilespmem:s3+$0x40];
	(pc) =	sbr.rel @p0 .LBB2_11-.Ltmp4, $3  }
0x12a: {  	v5 =	vld [tilespmem:s3+$0x10];
	_ =	sdelay $0x1  }
0x12b: {  	v3 =	vadd.f32 v3, v7  }
0x12c: {  	v6 =	vadd.f32 v6, v8  }
0x12d: {  	_ = 	snop  }
0x12e: {  	v2 =	vadd.f32 v2, v4;
	v1 =	vadd.f32 v5, v1  }
0x12f: {  	s0 =	smin.u32 s31, $0x4;
	s29 =	sadd.s32 $0x1, s29  }
0x130: {  	s0 =	sadd.s32 s0, s12;
	p0 =	sne.s32 s29, $0x4;
	v2 =	vadd.f32 v6, v2;
	v1 =	vadd.f32 v3, v1  }
.Ltmp5:
0x131: {  	s0 =	sshll.u32 s0, $0xA;
	(pc) =	sbr.rel @p0 .LBB2_8-.Ltmp5, $4  }
0x132: {  	s3 =	sand.u32 $0x70, s30;
	s0 =	sor.u32 s5, s0;
	v1 =	vadd.f32 v2, v1  }
0x133: {  	s3 =	sor.u32 s3, s6;
	s0 =	sshrl.u32 s0, $0x3  }
0x134: {  	s0 =	sadd.s32 s1, s0;
	[tilespmem:v0+s3+$0x0 ss:$0x1] =	vst.idx.msk $0xffff, v1  }
0x135: {  	[tilespmem:s21], [sflag:$0x2] =	stream.strided.gather [hbm4b:s0+s19], $0x2000, s20, s19, $0x38;
	[tilespmem:$0x6000] =	vst v63  }
0x136: {  	s28 =	simm.s32 $0x0  }
0x137: {  	[hbm4b:s13+s28] =	stream.linear.scatter [tilespmem:s24], [sflag:$0x3], $0x2000, $0x38;
	[tilespmem:$0x6000] =	vst v63  }
0x138: {  	_ =	swait.ge [sflag:s25], $0x2000  }
0x139: {  	[sflag:s25] =	ssyncset.done $0x0  }
0x13a: {  	[sflag:s25] =	ssyncadd.s32 $0xFFFFE000  }
0x13b: {  	_ =	swait.ge [sflag:s22], $0x2000  }
0x13c: {  	[sflag:s22] =	ssyncset.done $0x0  }
0x13d: {  	[sflag:s22] =	ssyncadd.s32 $0xFFFFE000  }
0x13e: {  	_ =	swait.ge [sflag:s23], $0x2000  }
0x13f: {  	[sflag:s23] =	ssyncset.done $0x0  }
0x140: {  	[sflag:s23] =	ssyncadd.s32 $0xFFFFE000  }
0x141: {  	[tilespmem:s28], [sflag:$0x1] =	stream.strided.gather [hbm4b:s14+s19], $0x2000, s20, s19, $0x38;
	[tilespmem:$0x6000] =	vst v63  }
0x142: {  	s29 =	simm.s32 $0x0  }
0x143: {  	[tilespmem:s21], [sflag:$0x2] =	stream.strided.gather [hbm4b:s15+s19], $0x2000, s20, s19, $0x38;
	[tilespmem:$0x6000] =	vst v63  }
.LBB2_14:
0x144: {  	_ =	swait.ge [sflag:s22], $0x2000  }
0x145: {  	[sflag:s22] =	ssyncset.done $0x0  }
0x146: {  	s0 =	simm.s32 $0x80;
	[sflag:s22] =	ssyncadd.s32 $0xFFFFE000  }
0x147: {  	v0 =	vld [tilespmem:s0+$0xFFFFFF80]  }
0x148: {  	v1 =	vld [tilespmem:s0+$0xFFFFFFF0]  }
0x149: {  	v2 =	vld [tilespmem:s0+$0xFFFFFFE0]  }
0x14a: {  	v3 =	vld [tilespmem:s0+$0xFFFFFFD0]  }
0x14b: {  	v4 =	vld [tilespmem:s0+$0xFFFFFFC0]  }
0x14c: {  	v5 =	vld [tilespmem:s0+$0xFFFFFFB0]  }
0x14d: {  	v6 =	vld [tilespmem:s0+$0xFFFFFFA0]  }
0x14e: {  	v7 =	vld [tilespmem:s0+$0xFFFFFF90];
	_ =	sdelay $0x3  }
0x14f: {  	v1 =	vadd.f32 v1, v2;
	v2 =	vadd.f32 v3, v4  }
0x150: {  	s31 =	sshll.u32 s29, $0x8;
	v3 =	vadd.f32 v5, v6;
	v4 =	vadd.f32 v7, v0  }
0x151: {  	v0 =	vmov s31  }
0x152: {  	v1 =	vadd.f32 v1, v2;
	v2 =	vadd.f32 v3, v4  }
0x153: {  	s3 =	simm.s32 $0x0;
	s4 =	sand.u32 $0x1C00, s28  }
0x154: {  	s3 =	sand.u32 $0x60, s3;
	s6 =	sor.u32 $0x4000, s4;
	v1 =	vadd.f32 v1, v2  }
0x155: {  	s3 =	sor.u32 s3, s6  }
0x156: {  	[tilespmem:v0+s3+$0x0 ss:$0x1] =	vst.idx.msk $0xffff, v1  }
0x157: {  	v6 =	vld [tilespmem:s0+$0x70]  }
0x158: {  	v3 =	vld [tilespmem:s0+$0x30]  }
0x159: {  	v7 =	vld [tilespmem:s0+$0x20]  }
0x15a: {  	v8 =	vld [tilespmem:s0+$0x60]  }
0x15b: {  	v2 =	vld [tilespmem:s0+$0x50]  }
0x15c: {  	v1 =	vld [tilespmem:s0+$0x0]  }
0x15d: {  	v4 =	vld [tilespmem:s0+$0x40]  }
0x15e: {  	v5 =	vld [tilespmem:s0+$0x10];
	_ =	sdelay $0x2  }
0x15f: {  	s30 =	simm.s32 $0x30;
	s4 =	simm.s32 $0x0;
	s3 =	simm.s32 $0x10;
	v3 =	vadd.f32 v3, v7;
	v6 =	vadd.f32 v6, v8  }
.LBB2_15:
0x160: {  	p0 =	sne.s32 s30, $0x3F0;
	v2 =	vadd.f32 v2, v4;
	s4 =	sadd.s32 $0x100, s4;
	s0 =	sadd.s32 $0x100, s0  }
0x161: {  	s7 =	smov.u32 s30;
	s30 =	sadd.s32 $0x20, s30;
	v1 =	vadd.f32 v5, v1  }
0x162: {  	v2 =	vadd.f32 v6, v2  }
0x163: {  	v1 =	vadd.f32 v3, v1  }
0x164: {  	s10 =	sand.u32 $0x70, s3;
	s3 =	smov.u32 s7  }
0x165: {  	s6 =	sor.u32 s10, s6;
	v1 =	vadd.f32 v2, v1;
	_ =	sdelay $0x1  }
0x166: {  	[tilespmem:v0+s6+$0x0 ss:$0x1] =	vst.idx.msk $0xffff, v1  }
0x167: {  	v1 =	vld [tilespmem:s0+$0xFFFFFF80]  }
0x168: {  	v2 =	vld [tilespmem:s0+$0xFFFFFFF0]  }
0x169: {  	v3 =	vld [tilespmem:s0+$0xFFFFFFE0]  }
0x16a: {  	v4 =	vld [tilespmem:s0+$0xFFFFFFD0]  }
0x16b: {  	v5 =	vld [tilespmem:s0+$0xFFFFFFC0]  }
0x16c: {  	v6 =	vld [tilespmem:s0+$0xFFFFFFB0]  }
0x16d: {  	v7 =	vld [tilespmem:s0+$0xFFFFFFA0]  }
0x16e: {  	v8 =	vld [tilespmem:s0+$0xFFFFFF90];
	v2 =	vadd.f32 v2, v3;
	_ =	sdelay $0x1  }
0x16f: {  	v3 =	vadd.f32 v4, v5;
	_ =	sdelay $0x1  }
0x170: {  	v4 =	vadd.f32 v6, v7;
	v2 =	vadd.f32 v2, v3  }
0x171: {  	v1 =	vadd.f32 v8, v1;
	_ =	sdelay $0x1  }
0x172: {  	v1 =	vadd.f32 v4, v1  }
0x173: {  	s7 =	sand.u32 $0x1C00, s4;
	s6 =	sadd.s32 $0xFFFFFFF0, s3  }
0x174: {  	s10 =	sand.u32 $0x60, s6;
	s6 =	sor.u32 $0x4000, s7;
	v1 =	vadd.f32 v2, v1  }
0x175: {  	s7 =	sor.u32 s10, s6  }
0x176: {  	[tilespmem:v0+s7+$0x0 ss:$0x1] =	vst.idx.msk $0xffff, v1  }
0x177: {  	v6 =	vld [tilespmem:s0+$0x70]  }
0x178: {  	v3 =	vld [tilespmem:s0+$0x30]  }
0x179: {  	v2 =	vld [tilespmem:s0+$0x50]  }
0x17a: {  	v1 =	vld [tilespmem:s0+$0x0]  }
0x17b: {  	v7 =	vld [tilespmem:s0+$0x20]  }
0x17c: {  	v8 =	vld [tilespmem:s0+$0x60]  }
.Ltmp6:
0x17d: {  	v4 =	vld [tilespmem:s0+$0x40];
	(pc) =	sbr.rel @p0 .LBB2_15-.Ltmp6, $3  }
0x17e: {  	v5 =	vld [tilespmem:s0+$0x10];
	_ =	sdelay $0x1  }
0x17f: {  	v3 =	vadd.f32 v3, v7  }
0x180: {  	v6 =	vadd.f32 v6, v8  }
0x181: {  	_ = 	snop  }
0x182: {  	v2 =	vadd.f32 v2, v4;
	v1 =	vadd.f32 v5, v1  }
0x183: {  	s30 =	sshll.u32 s29, $0x1  }
0x184: {  	s0 =	sadd.s32 s8, s30;
	v2 =	vadd.f32 v6, v2;
	v1 =	vadd.f32 v3, v1  }
0x185: {  	s0 =	sshll.u32 s0, $0xA  }
0x186: {  	s3 =	sand.u32 $0x70, s3;
	s0 =	sadd.s32 s5, s0;
	v1 =	vadd.f32 v2, v1  }
0x187: {  	s3 =	sor.u32 s3, s6;
	s0 =	sshrl.u32 s0, $0x3  }
0x188: {  	s6 =	sadd.s32 s2, s0;
	s0 =	simm.s32 $0x0;
	[tilespmem:v0+s3+$0x0 ss:$0x1] =	vst.idx.msk $0xffff, v1  }
0x189: {  	[tilespmem:s0], [sflag:$0x1] =	stream.strided.gather [hbm4b:s6+s19], $0x2000, s20, s19, $0x38;
	[tilespmem:$0x6000] =	vst v63  }
0x18a: {  	_ =	swait.ge [sflag:s23], $0x2000  }
0x18b: {  	[sflag:s23] =	ssyncset.done $0x0  }
0x18c: {  	s3 =	simm.s32 $0x2080;
	[sflag:s23] =	ssyncadd.s32 $0xFFFFE000  }
0x18d: {  	v0 =	vld [tilespmem:s3+$0xFFFFFF80]  }
0x18e: {  	v1 =	vld [tilespmem:s3+$0xFFFFFFF0]  }
0x18f: {  	v2 =	vld [tilespmem:s3+$0xFFFFFFE0]  }
0x190: {  	v3 =	vld [tilespmem:s3+$0xFFFFFFD0]  }
0x191: {  	v4 =	vld [tilespmem:s3+$0xFFFFFFC0]  }
0x192: {  	v5 =	vld [tilespmem:s3+$0xFFFFFFB0]  }
0x193: {  	v6 =	vld [tilespmem:s3+$0xFFFFFFA0]  }
0x194: {  	v7 =	vld [tilespmem:s3+$0xFFFFFF90];
	_ =	sdelay $0x3  }
0x195: {  	v1 =	vadd.f32 v1, v2;
	v2 =	vadd.f32 v3, v4  }
0x196: {  	s4 =	sor.u32 $0x80, s31;
	v3 =	vadd.f32 v5, v6;
	v4 =	vadd.f32 v7, v0  }
0x197: {  	v0 =	vmov s4  }
0x198: {  	v1 =	vadd.f32 v1, v2;
	v2 =	vadd.f32 v3, v4  }
0x199: {  	s7 =	simm.s32 $0x0;
	s10 =	sand.u32 $0x1C00, s0  }
0x19a: {  	s6 =	sor.u32 $0x4000, s10;
	s4 =	sand.u32 $0x60, s7;
	v1 =	vadd.f32 v1, v2  }
0x19b: {  	s4 =	sor.u32 s4, s6  }
0x19c: {  	[tilespmem:v0+s4+$0x0 ss:$0x1] =	vst.idx.msk $0xffff, v1  }
0x19d: {  	v6 =	vld [tilespmem:s3+$0x70]  }
0x19e: {  	v3 =	vld [tilespmem:s3+$0x30]  }
0x19f: {  	v7 =	vld [tilespmem:s3+$0x20]  }
0x1a0: {  	v8 =	vld [tilespmem:s3+$0x60]  }
0x1a1: {  	v2 =	vld [tilespmem:s3+$0x50]  }
0x1a2: {  	v1 =	vld [tilespmem:s3+$0x0]  }
0x1a3: {  	v4 =	vld [tilespmem:s3+$0x40]  }
0x1a4: {  	v5 =	vld [tilespmem:s3+$0x10];
	_ =	sdelay $0x2  }
0x1a5: {  	s31 =	simm.s32 $0x10;
	s4 =	simm.s32 $0x30;
	v3 =	vadd.f32 v3, v7;
	v6 =	vadd.f32 v6, v8  }
.LBB2_17:
0x1a6: {  	p0 =	sne.s32 s4, $0x3F0;
	v2 =	vadd.f32 v2, v4;
	s0 =	sadd.s32 $0x100, s0;
	s3 =	sadd.s32 $0x100, s3  }
0x1a7: {  	s7 =	smov.u32 s4;
	s4 =	sadd.s32 $0x20, s4;
	v1 =	vadd.f32 v5, v1  }
0x1a8: {  	v2 =	vadd.f32 v6, v2  }
0x1a9: {  	v1 =	vadd.f32 v3, v1  }
0x1aa: {  	s10 =	sand.u32 $0x70, s31;
	s31 =	smov.u32 s7  }
0x1ab: {  	s6 =	sor.u32 s10, s6;
	v1 =	vadd.f32 v2, v1;
	_ =	sdelay $0x1  }
0x1ac: {  	[tilespmem:v0+s6+$0x0 ss:$0x1] =	vst.idx.msk $0xffff, v1  }
0x1ad: {  	v1 =	vld [tilespmem:s3+$0xFFFFFF80]  }
0x1ae: {  	v2 =	vld [tilespmem:s3+$0xFFFFFFF0]  }
0x1af: {  	v3 =	vld [tilespmem:s3+$0xFFFFFFE0]  }
0x1b0: {  	v4 =	vld [tilespmem:s3+$0xFFFFFFD0]  }
0x1b1: {  	v5 =	vld [tilespmem:s3+$0xFFFFFFC0]  }
0x1b2: {  	v6 =	vld [tilespmem:s3+$0xFFFFFFB0]  }
0x1b3: {  	v7 =	vld [tilespmem:s3+$0xFFFFFFA0]  }
0x1b4: {  	v8 =	vld [tilespmem:s3+$0xFFFFFF90];
	v2 =	vadd.f32 v2, v3;
	_ =	sdelay $0x1  }
0x1b5: {  	v3 =	vadd.f32 v4, v5;
	_ =	sdelay $0x1  }
0x1b6: {  	v4 =	vadd.f32 v6, v7;
	v2 =	vadd.f32 v2, v3  }
0x1b7: {  	v1 =	vadd.f32 v8, v1;
	_ =	sdelay $0x1  }
0x1b8: {  	v1 =	vadd.f32 v4, v1  }
0x1b9: {  	s7 =	sand.u32 $0x1C00, s0;
	s6 =	sadd.s32 $0xFFFFFFF0, s31  }
0x1ba: {  	s10 =	sand.u32 $0x60, s6;
	s6 =	sor.u32 $0x4000, s7;
	v1 =	vadd.f32 v2, v1  }
0x1bb: {  	s7 =	sor.u32 s10, s6  }
0x1bc: {  	[tilespmem:v0+s7+$0x0 ss:$0x1] =	vst.idx.msk $0xffff, v1  }
0x1bd: {  	v6 =	vld [tilespmem:s3+$0x70]  }
0x1be: {  	v3 =	vld [tilespmem:s3+$0x30]  }
0x1bf: {  	v2 =	vld [tilespmem:s3+$0x50]  }
0x1c0: {  	v1 =	vld [tilespmem:s3+$0x0]  }
0x1c1: {  	v7 =	vld [tilespmem:s3+$0x20]  }
0x1c2: {  	v8 =	vld [tilespmem:s3+$0x60]  }
.Ltmp7:
0x1c3: {  	v4 =	vld [tilespmem:s3+$0x40];
	(pc) =	sbr.rel @p0 .LBB2_17-.Ltmp7, $3  }
0x1c4: {  	v5 =	vld [tilespmem:s3+$0x10];
	_ =	sdelay $0x1  }
0x1c5: {  	v3 =	vadd.f32 v3, v7  }
0x1c6: {  	v6 =	vadd.f32 v6, v8  }
0x1c7: {  	_ = 	snop  }
0x1c8: {  	v2 =	vadd.f32 v2, v4;
	v1 =	vadd.f32 v5, v1  }
0x1c9: {  	s29 =	sadd.s32 $0x1, s29  }
0x1ca: {  	s0 =	sadd.s32 s9, s30;
	p0 =	sne.s32 s29, $0x4;
	v2 =	vadd.f32 v6, v2;
	v1 =	vadd.f32 v3, v1  }
.Ltmp8:
0x1cb: {  	s0 =	sshll.u32 s0, $0xA;
	(pc) =	sbr.rel @p0 .LBB2_14-.Ltmp8, $4  }
0x1cc: {  	s3 =	sand.u32 $0x70, s31;
	s0 =	sadd.s32 s5, s0;
	v1 =	vadd.f32 v2, v1  }
0x1cd: {  	s3 =	sor.u32 s3, s6;
	s0 =	sshrl.u32 s0, $0x3  }
0x1ce: {  	s0 =	sadd.s32 s2, s0;
	[tilespmem:v0+s3+$0x0 ss:$0x1] =	vst.idx.msk $0xffff, v1  }
0x1cf: {  	[tilespmem:s21], [sflag:$0x2] =	stream.strided.gather [hbm4b:s0+s19], $0x2000, s20, s19, $0x38;
	[tilespmem:$0x6000] =	vst v63  }
0x1d0: {  	s28 =	simm.s32 $0x0  }
0x1d1: {  	[hbm4b:s16+s28] =	stream.linear.scatter [tilespmem:s24], [sflag:$0x3], $0x2000, $0x38;
	[tilespmem:$0x6000] =	vst v63  }
0x1d2: {  	_ =	swait.ge [sflag:s25], $0x2000  }
0x1d3: {  	[sflag:s25] =	ssyncset.done $0x0  }
0x1d4: {  	s29 =	simm.s32 $0x0;
	[sflag:s25] =	ssyncadd.s32 $0xFFFFE000  }
.LBB2_20:
0x1d5: {  	_ =	swait.ge [sflag:s22], $0x2000  }
0x1d6: {  	[sflag:s22] =	ssyncset.done $0x0  }
0x1d7: {  	s0 =	simm.s32 $0x80;
	[sflag:s22] =	ssyncadd.s32 $0xFFFFE000  }
0x1d8: {  	v0 =	vld [tilespmem:s0+$0xFFFFFF80]  }
0x1d9: {  	v1 =	vld [tilespmem:s0+$0xFFFFFFF0]  }
0x1da: {  	v2 =	vld [tilespmem:s0+$0xFFFFFFE0]  }
0x1db: {  	v3 =	vld [tilespmem:s0+$0xFFFFFFD0]  }
0x1dc: {  	v4 =	vld [tilespmem:s0+$0xFFFFFFC0]  }
0x1dd: {  	v5 =	vld [tilespmem:s0+$0xFFFFFFB0]  }
0x1de: {  	v6 =	vld [tilespmem:s0+$0xFFFFFFA0]  }
0x1df: {  	v7 =	vld [tilespmem:s0+$0xFFFFFF90];
	_ =	sdelay $0x3  }
0x1e0: {  	v1 =	vadd.f32 v1, v2;
	v2 =	vadd.f32 v3, v4  }
0x1e1: {  	s30 =	sshll.u32 s29, $0x8;
	v3 =	vadd.f32 v5, v6;
	v4 =	vadd.f32 v7, v0  }
0x1e2: {  	v0 =	vmov s30  }
0x1e3: {  	v1 =	vadd.f32 v1, v2;
	v2 =	vadd.f32 v3, v4  }
0x1e4: {  	s3 =	simm.s32 $0x0;
	s4 =	sand.u32 $0x1C00, s28  }
0x1e5: {  	s3 =	sand.u32 $0x60, s3;
	s6 =	sor.u32 $0x4000, s4;
	v1 =	vadd.f32 v1, v2  }
0x1e6: {  	s3 =	sor.u32 s3, s6  }
0x1e7: {  	[tilespmem:v0+s3+$0x0 ss:$0x1] =	vst.idx.msk $0xffff, v1  }
0x1e8: {  	v6 =	vld [tilespmem:s0+$0x70]  }
0x1e9: {  	v3 =	vld [tilespmem:s0+$0x30]  }
0x1ea: {  	v7 =	vld [tilespmem:s0+$0x20]  }
0x1eb: {  	v8 =	vld [tilespmem:s0+$0x60]  }
0x1ec: {  	v2 =	vld [tilespmem:s0+$0x50]  }
0x1ed: {  	v1 =	vld [tilespmem:s0+$0x0]  }
0x1ee: {  	v4 =	vld [tilespmem:s0+$0x40]  }
0x1ef: {  	v5 =	vld [tilespmem:s0+$0x10];
	_ =	sdelay $0x2  }
0x1f0: {  	s31 =	simm.s32 $0x30;
	s4 =	simm.s32 $0x0;
	s3 =	simm.s32 $0x10;
	v3 =	vadd.f32 v3, v7;
	v6 =	vadd.f32 v6, v8  }
.LBB2_21:
0x1f1: {  	p0 =	sne.s32 s31, $0x3F0;
	v2 =	vadd.f32 v2, v4;
	s4 =	sadd.s32 $0x100, s4;
	s0 =	sadd.s32 $0x100, s0  }
0x1f2: {  	s7 =	smov.u32 s31;
	s31 =	sadd.s32 $0x20, s31;
	v1 =	vadd.f32 v5, v1  }
0x1f3: {  	v2 =	vadd.f32 v6, v2  }
0x1f4: {  	v1 =	vadd.f32 v3, v1  }
0x1f5: {  	s10 =	sand.u32 $0x70, s3;
	s3 =	smov.u32 s7  }
0x1f6: {  	s6 =	sor.u32 s10, s6;
	v1 =	vadd.f32 v2, v1;
	_ =	sdelay $0x1  }
0x1f7: {  	[tilespmem:v0+s6+$0x0 ss:$0x1] =	vst.idx.msk $0xffff, v1  }
0x1f8: {  	v1 =	vld [tilespmem:s0+$0xFFFFFF80]  }
0x1f9: {  	v2 =	vld [tilespmem:s0+$0xFFFFFFF0]  }
0x1fa: {  	v3 =	vld [tilespmem:s0+$0xFFFFFFE0]  }
0x1fb: {  	v4 =	vld [tilespmem:s0+$0xFFFFFFD0]  }
0x1fc: {  	v5 =	vld [tilespmem:s0+$0xFFFFFFC0]  }
0x1fd: {  	v6 =	vld [tilespmem:s0+$0xFFFFFFB0]  }
0x1fe: {  	v7 =	vld [tilespmem:s0+$0xFFFFFFA0]  }
0x1ff: {  	v8 =	vld [tilespmem:s0+$0xFFFFFF90];
	v2 =	vadd.f32 v2, v3;
	_ =	sdelay $0x1  }
0x200: {  	v3 =	vadd.f32 v4, v5;
	_ =	sdelay $0x1  }
0x201: {  	v4 =	vadd.f32 v6, v7;
	v2 =	vadd.f32 v2, v3  }
0x202: {  	v1 =	vadd.f32 v8, v1;
	_ =	sdelay $0x1  }
0x203: {  	v1 =	vadd.f32 v4, v1  }
0x204: {  	s7 =	sand.u32 $0x1C00, s4;
	s6 =	sadd.s32 $0xFFFFFFF0, s3  }
0x205: {  	s10 =	sand.u32 $0x60, s6;
	s6 =	sor.u32 $0x4000, s7;
	v1 =	vadd.f32 v2, v1  }
0x206: {  	s7 =	sor.u32 s10, s6  }
0x207: {  	[tilespmem:v0+s7+$0x0 ss:$0x1] =	vst.idx.msk $0xffff, v1  }
0x208: {  	v6 =	vld [tilespmem:s0+$0x70]  }
0x209: {  	v3 =	vld [tilespmem:s0+$0x30]  }
0x20a: {  	v2 =	vld [tilespmem:s0+$0x50]  }
0x20b: {  	v1 =	vld [tilespmem:s0+$0x0]  }
0x20c: {  	v7 =	vld [tilespmem:s0+$0x20]  }
0x20d: {  	v8 =	vld [tilespmem:s0+$0x60]  }
.Ltmp9:
0x20e: {  	v4 =	vld [tilespmem:s0+$0x40];
	(pc) =	sbr.rel @p0 .LBB2_21-.Ltmp9, $3  }
0x20f: {  	v5 =	vld [tilespmem:s0+$0x10];
	_ =	sdelay $0x1  }
0x210: {  	v3 =	vadd.f32 v3, v7  }
0x211: {  	v6 =	vadd.f32 v6, v8  }
0x212: {  	_ = 	snop  }
0x213: {  	v2 =	vadd.f32 v2, v4;
	s31 =	sshll.u32 s29, $0x1;
	v1 =	vadd.f32 v5, v1  }
0x214: {  	s0 =	smin.u32 s31, $0x5  }
0x215: {  	v2 =	vadd.f32 v6, v2;
	s0 =	sadd.s32 s0, s11;
	v1 =	vadd.f32 v3, v1  }
0x216: {  	s0 =	sshll.u32 s0, $0xA  }
0x217: {  	s3 =	sand.u32 $0x70, s3;
	s0 =	sor.u32 s5, s0;
	v1 =	vadd.f32 v2, v1  }
0x218: {  	s3 =	sor.u32 s3, s6;
	s0 =	sshrl.u32 s0, $0x3  }
0x219: {  	s6 =	sadd.s32 s2, s0;
	s0 =	simm.s32 $0x0;
	[tilespmem:v0+s3+$0x0 ss:$0x1] =	vst.idx.msk $0xffff, v1  }
0x21a: {  	[tilespmem:s0], [sflag:$0x1] =	stream.strided.gather [hbm4b:s6+s19], $0x2000, s20, s19, $0x38;
	[tilespmem:$0x6000] =	vst v63  }
0x21b: {  	_ =	swait.ge [sflag:s23], $0x2000  }
0x21c: {  	[sflag:s23] =	ssyncset.done $0x0  }
0x21d: {  	s3 =	simm.s32 $0x2080;
	[sflag:s23] =	ssyncadd.s32 $0xFFFFE000  }
0x21e: {  	v0 =	vld [tilespmem:s3+$0xFFFFFF80]  }
0x21f: {  	v1 =	vld [tilespmem:s3+$0xFFFFFFF0]  }
0x220: {  	v2 =	vld [tilespmem:s3+$0xFFFFFFE0]  }
0x221: {  	v3 =	vld [tilespmem:s3+$0xFFFFFFD0]  }
0x222: {  	v4 =	vld [tilespmem:s3+$0xFFFFFFC0]  }
0x223: {  	v5 =	vld [tilespmem:s3+$0xFFFFFFB0]  }
0x224: {  	v6 =	vld [tilespmem:s3+$0xFFFFFFA0]  }
0x225: {  	v7 =	vld [tilespmem:s3+$0xFFFFFF90];
	_ =	sdelay $0x3  }
0x226: {  	v1 =	vadd.f32 v1, v2;
	v2 =	vadd.f32 v3, v4  }
0x227: {  	s4 =	sor.u32 $0x80, s30;
	v3 =	vadd.f32 v5, v6;
	v4 =	vadd.f32 v7, v0  }
0x228: {  	v0 =	vmov s4  }
0x229: {  	v1 =	vadd.f32 v1, v2;
	v2 =	vadd.f32 v3, v4  }
0x22a: {  	s7 =	simm.s32 $0x0;
	s10 =	sand.u32 $0x1C00, s0  }
0x22b: {  	s6 =	sor.u32 $0x4000, s10;
	s4 =	sand.u32 $0x60, s7;
	v1 =	vadd.f32 v1, v2  }
0x22c: {  	s4 =	sor.u32 s4, s6  }
0x22d: {  	[tilespmem:v0+s4+$0x0 ss:$0x1] =	vst.idx.msk $0xffff, v1  }
0x22e: {  	v6 =	vld [tilespmem:s3+$0x70]  }
0x22f: {  	v3 =	vld [tilespmem:s3+$0x30]  }
0x230: {  	v7 =	vld [tilespmem:s3+$0x20]  }
0x231: {  	v8 =	vld [tilespmem:s3+$0x60]  }
0x232: {  	v2 =	vld [tilespmem:s3+$0x50]  }
0x233: {  	v1 =	vld [tilespmem:s3+$0x0]  }
0x234: {  	v4 =	vld [tilespmem:s3+$0x40]  }
0x235: {  	v5 =	vld [tilespmem:s3+$0x10];
	_ =	sdelay $0x2  }
0x236: {  	s30 =	simm.s32 $0x10;
	s4 =	simm.s32 $0x30;
	v3 =	vadd.f32 v3, v7;
	v6 =	vadd.f32 v6, v8  }
.LBB2_23:
0x237: {  	p0 =	sne.s32 s4, $0x3F0;
	v2 =	vadd.f32 v2, v4;
	s0 =	sadd.s32 $0x100, s0;
	s3 =	sadd.s32 $0x100, s3  }
0x238: {  	s7 =	smov.u32 s4;
	s4 =	sadd.s32 $0x20, s4;
	v1 =	vadd.f32 v5, v1  }
0x239: {  	v2 =	vadd.f32 v6, v2  }
0x23a: {  	v1 =	vadd.f32 v3, v1  }
0x23b: {  	s10 =	sand.u32 $0x70, s30;
	s30 =	smov.u32 s7  }
0x23c: {  	s6 =	sor.u32 s10, s6;
	v1 =	vadd.f32 v2, v1;
	_ =	sdelay $0x1  }
0x23d: {  	[tilespmem:v0+s6+$0x0 ss:$0x1] =	vst.idx.msk $0xffff, v1  }
0x23e: {  	v1 =	vld [tilespmem:s3+$0xFFFFFF80]  }
0x23f: {  	v2 =	vld [tilespmem:s3+$0xFFFFFFF0]  }
0x240: {  	v3 =	vld [tilespmem:s3+$0xFFFFFFE0]  }
0x241: {  	v4 =	vld [tilespmem:s3+$0xFFFFFFD0]  }
0x242: {  	v5 =	vld [tilespmem:s3+$0xFFFFFFC0]  }
0x243: {  	v6 =	vld [tilespmem:s3+$0xFFFFFFB0]  }
0x244: {  	v7 =	vld [tilespmem:s3+$0xFFFFFFA0]  }
0x245: {  	v8 =	vld [tilespmem:s3+$0xFFFFFF90];
	v2 =	vadd.f32 v2, v3;
	_ =	sdelay $0x1  }
0x246: {  	v3 =	vadd.f32 v4, v5;
	_ =	sdelay $0x1  }
0x247: {  	v4 =	vadd.f32 v6, v7;
	v2 =	vadd.f32 v2, v3  }
0x248: {  	v1 =	vadd.f32 v8, v1;
	_ =	sdelay $0x1  }
0x249: {  	v1 =	vadd.f32 v4, v1  }
0x24a: {  	s7 =	sand.u32 $0x1C00, s0;
	s6 =	sadd.s32 $0xFFFFFFF0, s30  }
0x24b: {  	s10 =	sand.u32 $0x60, s6;
	s6 =	sor.u32 $0x4000, s7;
	v1 =	vadd.f32 v2, v1  }
0x24c: {  	s7 =	sor.u32 s10, s6  }
0x24d: {  	[tilespmem:v0+s7+$0x0 ss:$0x1] =	vst.idx.msk $0xffff, v1  }
0x24e: {  	v6 =	vld [tilespmem:s3+$0x70]  }
0x24f: {  	v3 =	vld [tilespmem:s3+$0x30]  }
0x250: {  	v2 =	vld [tilespmem:s3+$0x50]  }
0x251: {  	v1 =	vld [tilespmem:s3+$0x0]  }
0x252: {  	v7 =	vld [tilespmem:s3+$0x20]  }
0x253: {  	v8 =	vld [tilespmem:s3+$0x60]  }
.Ltmp10:
0x254: {  	v4 =	vld [tilespmem:s3+$0x40];
	(pc) =	sbr.rel @p0 .LBB2_23-.Ltmp10, $3  }
0x255: {  	v5 =	vld [tilespmem:s3+$0x10];
	_ =	sdelay $0x1  }
0x256: {  	v3 =	vadd.f32 v3, v7  }
0x257: {  	v6 =	vadd.f32 v6, v8  }
0x258: {  	_ = 	snop  }
0x259: {  	v2 =	vadd.f32 v2, v4;
	v1 =	vadd.f32 v5, v1  }
0x25a: {  	s0 =	smin.u32 s31, $0x4;
	s29 =	sadd.s32 $0x1, s29  }
0x25b: {  	s0 =	sadd.s32 s0, s12;
	p0 =	sne.s32 s29, $0x4;
	v2 =	vadd.f32 v6, v2;
	v1 =	vadd.f32 v3, v1  }
.Ltmp11:
0x25c: {  	s0 =	sshll.u32 s0, $0xA;
	(pc) =	sbr.rel @p0 .LBB2_20-.Ltmp11, $4  }
0x25d: {  	s3 =	sand.u32 $0x70, s30;
	s0 =	sor.u32 s5, s0;
	v1 =	vadd.f32 v2, v1  }
0x25e: {  	s3 =	sor.u32 s3, s6;
	s0 =	sshrl.u32 s0, $0x3  }
0x25f: {  	s0 =	sadd.s32 s2, s0;
	[tilespmem:v0+s3+$0x0 ss:$0x1] =	vst.idx.msk $0xffff, v1  }
0x260: {  	[tilespmem:s21], [sflag:$0x2] =	stream.strided.gather [hbm4b:s0+s19], $0x2000, s20, s19, $0x38;
	[tilespmem:$0x6000] =	vst v63  }
0x261: {  	s28 =	simm.s32 $0x0  }
0x262: {  	[hbm4b:s17+s28] =	stream.linear.scatter [tilespmem:s24], [sflag:$0x3], $0x2000, $0x38;
	[tilespmem:$0x6000] =	vst v63  }
0x263: {  	_ =	swait.ge [sflag:s25], $0x2000  }
0x264: {  	[sflag:s25] =	ssyncset.done $0x0  }
0x265: {  	s26 =	sadd.s32 $0x1, s26;
	[sflag:s25] =	ssyncadd.s32 $0xFFFFE000  }
0x266: {  	p0 =	sne.s32 s26, s18;
	_ =	swait.ge [sflag:s22], $0x2000  }
.Ltmp12:
0x267: {  	[sflag:s22] =	ssyncset.done $0x0;
	(pc) =	sbr.rel @p0 .LBB2_1-.Ltmp12, $4  }
0x268: {  	[sflag:s22] =	ssyncadd.s32 $0xFFFFE000  }
0x269: {  	_ =	swait.ge [sflag:s23], $0x2000  }
0x26a: {  	[sflag:s23] =	ssyncset.done $0x0  }
0x26b: {  	[sflag:s23] =	ssyncadd.s32 $0xFFFFE000  }
0x26c: {  	_ =	sfence.sel $0x180000  }
0x26d: {  	[bflag:$0x0] =	sbarrier.arrive $0xFFFF  }
0x26e: {  	_ =	strace $0x90000047  }
0x26f: {  	s0 =	stileid.u32;
	[bflag:$0x2] =	sbarrier.arrive $0xFFFF  }
0x270: {  	p0 =	sne.s32 s0, $0x0;
	s0 =	rddreg [dreg:$0x3]  }
0x271: {  	s0 =	sadd.s32 @!p0 $0x100000, s0  }
0x272: {  	[sflag:s0] =	ssyncadd.tile.s32 @!p0 $0x1;
	_ =	shalt  }
.Lfunc_end2:
_tile_overlayer_lowered:
.L_overlay_start_2:
0x273: {  	(tag) =	ssettag $0x2  }
0x274: {  	s0 =	rddreg [dreg:$0x0];
	s2 =	stileid.u32  }
0x275: {  	s1 =	rddreg [dreg:$0x1];
	p0 =	sne.s32 s2, $0x0  }
0x276: {  	s3 =	rddreg [dreg:$0x2];
	[bflag:$0x3] =	sbarrier.arrive $0xFFFF;
	s2 =	simm.s32 @!p0 $0x1C03  }
0x277: {  	[timem:s3], [sflag:s2] =	dma.local @!p0 [hbm:s0], s1  }
0x278: {  	s0 =	simm.s32 @!p0 $0x3  }
0x279: {  	_ =	swait.ge @!p0 [sflag:s0], s1  }
0x27a: {  	s1 =	ssub.s32 @!p0 $0x0, s1;
	[sflag:s0] =	ssyncset.done @!p0 $0x0  }
0x27b: {  	[sflag:s0] =	ssyncadd.s32 @!p0 s1  }
0x27c: {  	[bflag:$0x3] =	sbarrier.arrive $0xFFFF  }
0x27d: {  	_ =	shalt  }

</sc_bundles>
